<compile_context>
chip_gen: v7x
topology: tpu7x:2x2x1
jax: 0.10.2.dev20260603
libtpu: 0.0.44.dev20260713+nightly
codegen_flags: <defaults>
</compile_context>

<pallas_src>
import functools

import jax
import jax.numpy as jnp
from jax import lax
from jax.experimental import pallas as pl
from jax.experimental.pallas import tpu as pltpu
from jax.experimental.pallas import tpu_sc as plsc

N_NODES = 10000
D = 128
E = 320000

N_BINS = 10240
NC = 2
NSC = 16
CHUNK = 128
E_PAD = 327680
CH_PER_W = E_PAD // (NC * NSC * CHUNK)
K = 8
SLICE = N_BINS // NSC


def _sc_histogram(dst4):
    mesh = plsc.VectorSubcoreMesh(core_axis_name="c", subcore_axis_name="s")

    @functools.partial(
        pl.kernel,
        out_type=jax.ShapeDtypeStruct((NC, N_BINS), jnp.float32),
        mesh=mesh,
        scratch_types=[
            pltpu.VMEM((CH_PER_W, CHUNK), jnp.int32),
            pltpu.VMEM((CHUNK,), jnp.float32),
            pltpu.VMEM((SLICE,), jnp.float32),
            pltpu.VMEM_SHARED((N_BINS,), jnp.float32),
            pltpu.SemaphoreType.DMA,
            pltpu.SemaphoreType.DMA,
        ],
    )
    def hist(dst_hbm, out_hbm, idx_v, ones_v, io_v, shared, sem_stage, sem):
        c = lax.axis_index("c")
        s = lax.axis_index("s")
        half = CH_PER_W // 2

        stage0 = pltpu.async_copy(
            dst_hbm.at[c, s, pl.ds(0, half)], idx_v.at[pl.ds(0, half)],
            sem_stage)

        for i in range(CHUNK // 16):
            ones_v[pl.ds(i * 16, 16)] = jnp.ones((16,), jnp.float32)

        def zbody(i, carry):
            io_v[pl.ds(i * 16, 16)] = jnp.zeros((16,), jnp.float32)
            return carry
        lax.fori_loop(0, SLICE // 16, zbody, 0)
        pltpu.sync_copy(io_v, shared.at[pl.ds(s * SLICE, SLICE)])

        stage0.wait()
        stage1 = pltpu.async_copy(
            dst_hbm.at[c, s, pl.ds(half, half)], idx_v.at[pl.ds(half, half)],
            sem_stage)
        plsc.subcore_barrier()

        def sbody(j, carry):
            descs = [
                pltpu.async_copy(
                    ones_v, shared.at[idx_v.at[j * K + b]], sem, add=True)
                for b in range(K)
            ]
            for d in descs:
                d.wait()
            return carry
        lax.fori_loop(0, half // K, sbody, 0)
        stage1.wait()
        lax.fori_loop(half // K, CH_PER_W // K, sbody, 0)
        plsc.subcore_barrier()

        pltpu.sync_copy(shared.at[pl.ds(s * SLICE, SLICE)], io_v)
        pltpu.sync_copy(io_v, out_hbm.at[c, pl.ds(s * SLICE, SLICE)])

    return hist(dst4)


def _tc_forward(x, c0_col, c1_col, W1, b1r, W2, b2r):
    def body(x_ref, c0_ref, c1_ref, w1_ref, b1_ref, w2_ref, b2_ref, o_ref):
        w12 = jnp.dot(w1_ref[...], w2_ref[...],
                      preferred_element_type=jnp.float32)
        c1 = jnp.dot(b1_ref[...], w2_ref[...],
                     preferred_element_type=jnp.float32)
        p = jnp.dot(x_ref[...], w12, preferred_element_type=jnp.float32)
        scale = 1.0 + c0_ref[...] + c1_ref[...]
        o_ref[...] = scale * (p + c1) + b2_ref[...]

    return pl.pallas_call(
        body,
        out_shape=jax.ShapeDtypeStruct((N_NODES, D), jnp.float32),
    )(x, c0_col, c1_col, W1, b1r, W2, b2r)


def kernel(x, edge_index, W1, b1, W2, b2):
    dst = edge_index[1].astype(jnp.int32)
    pad = jnp.full((E_PAD - E,), N_NODES, jnp.int32)
    dst4 = jnp.concatenate([dst, pad]).reshape(NC, NSC, CH_PER_W, CHUNK)
    cnt = _sc_histogram(dst4)
    c0_col = cnt[0, :N_NODES].reshape(N_NODES, 1)
    c1_col = cnt[1, :N_NODES].reshape(N_NODES, 1)
    return _tc_forward(x, c0_col, c1_col, W1,
                       b1.reshape(1, D), W2, b2.reshape(1, D))

# --- scband reference (transcript-rebuilt; emitter-appended) ---
"""Pipeline reference for scband-gnn-17875653886652 (READ-ONLY COPY).

The authoritative reference and input builder live on the scoring server;
editing this copy changes nothing except your own understanding.
"""

import jax, jax.numpy as jnp
import numpy as np

N_NODES = 10000
N_EDGES = 320000
D_IN = 128
D_HID = 128
D_OUT = 128


def setup_inputs(seed: int = 0) -> dict:
    key = jax.random.key(seed)
    k_x, k_ei, k_w1, k_b1, k_w2, k_b2 = jax.random.split(key, 6)
    x = jax.random.normal(k_x, (N_NODES, D_IN), dtype=jnp.float32)
    edge_index = jax.random.randint(k_ei, (2, N_EDGES), 0, N_NODES, dtype=jnp.int64)
    # Linear layer params (PyTorch nn.Linear style init)
    bound1 = 1.0 / np.sqrt(D_IN)
    W1 = jax.random.uniform(k_w1, (D_IN, D_HID), minval=-bound1, maxval=bound1, dtype=jnp.float32)
    b1 = jax.random.uniform(k_b1, (D_HID,), minval=-bound1, maxval=bound1, dtype=jnp.float32)
    bound2 = 1.0 / np.sqrt(D_HID)
    W2 = jax.random.uniform(k_w2, (D_HID, D_OUT), minval=-bound2, maxval=bound2, dtype=jnp.float32)
    b2 = jax.random.uniform(k_b2, (D_OUT,), minval=-bound2, maxval=bound2, dtype=jnp.float32)
    return {"x": x, "edge_index": edge_index, "W1": W1, "b1": b1, "W2": W2, "b2": b2}


def reference(x, edge_index, W1, b1, W2, b2):
    edge_src = edge_index[0]
    edge_dst = edge_index[1]
    # gather destination-node features (before conv1, as in the original forward)
    x_dst = jnp.take(x, edge_dst, axis=0)            # [E, D_IN]
    # conv1 applied to nodes and to gathered edge endpoints
    h = x @ W1 + b1                                   # [N, D_HID]
    h_dst = x_dst @ W1 + b1                           # [E, D_HID]
    # scatter-add aggregation into destination nodes
    agg = jnp.zeros_like(h).at[edge_dst].add(h_dst)   # [N, D_HID]
    h = h + agg
    out = h @ W2 + b2                                 # [N, D_OUT]
    return out

if __name__ == "__main__":
    import jax
    _d = setup_inputs()
    print(jax.jit(kernel)(*tuple(_d.values())))

</pallas_src>

<mosaic_0001>
#map = affine_map<(d0, d1) -> (0, 0, 0, 0)>
#map1 = affine_map<(d0, d1) -> (0, 0)>
module attributes {stable_mosaic.version = 14 : i64} {
  func.func @hist(%arg0: i32, %arg1: i32, %arg2: memref<2x16x80x128xi32, #tpu.memory_space<hbm>>, %arg3: memref<2x10240xf32, #tpu.memory_space<hbm>>, %arg4: memref<80x128xi32, #tpu.memory_space<vmem>>, %arg5: memref<128xf32, #tpu.memory_space<vmem>>, %arg6: memref<640xf32, #tpu.memory_space<vmem>>, %arg7: memref<10240xf32, #tpu.memory_space<vmem_shared>>, %arg8: memref<!tpu.dma_semaphore, #tpu.memory_space<semaphore_mem>>, %arg9: memref<!tpu.dma_semaphore, #tpu.memory_space<semaphore_mem>>) attributes {dimension_semantics = [#tpu.dimension_semantics<core_parallel>, #tpu.dimension_semantics<subcore_parallel>], iteration_bounds = array<i64: 2, 16>, scalar_prefetch = 0 : i64, scratch_operands = 6 : i64, tpu.core_type = #tpu.core_type<sc_vector_subcore>, window_params = [{transform_indices = #map}, {transform_indices = #map1}]} {
    %dma_start3A = arith.constant 0 : i32
    %dma_start3A_0 = arith.constant 0 : i32
    %dma_start3A_1 = tpu.memref_slice %arg4[%dma_start3A, %dma_start3A_0] : memref<80x128xi32, #tpu.memory_space<vmem>> -> memref<40x128xi32, #tpu.memory_space<vmem>>
    %dma_start3A_2 = arith.constant 0 : i32
    %dma_start3A_3 = arith.constant 0 : i32
    %dma_start3A_4 = tpu.memref_slice %arg2[%arg0, %arg1, %dma_start3A_2, %dma_start3A_3] : memref<2x16x80x128xi32, #tpu.memory_space<hbm>> -> memref<1x1x40x128xi32, #tpu.memory_space<hbm>>
    %dma_start3A_5 = tpu.memref_squeeze %dma_start3A_4 : memref<1x1x40x128xi32, #tpu.memory_space<hbm>> -> memref<40x128xi32, #tpu.memory_space<hbm>>
    %dma_start3A_6 = arith.constant 0 : i32
    %dma_start3A_7 = arith.constant 0 : i32
    %dma_start3A_8 = tpu.memref_slice %arg4[%dma_start3A_6, %dma_start3A_7] : memref<80x128xi32, #tpu.memory_space<vmem>> -> memref<40x128xi32, #tpu.memory_space<vmem>>
    %dma_start3A_9 = arith.constant 0 : i32
    %dma_start3A_10 = arith.constant 0 : i32
    %dma_start3A_11 = tpu.memref_slice %arg2[%arg0, %arg1, %dma_start3A_9, %dma_start3A_10] : memref<2x16x80x128xi32, #tpu.memory_space<hbm>> -> memref<1x1x40x128xi32, #tpu.memory_space<hbm>>
    %dma_start3A_12 = tpu.memref_squeeze %dma_start3A_11 : memref<1x1x40x128xi32, #tpu.memory_space<hbm>> -> memref<40x128xi32, #tpu.memory_space<hbm>>
    tpu.enqueue_dma source(%dma_start3A_12 : memref<40x128xi32, #tpu.memory_space<hbm>>) target(%dma_start3A_8 : memref<40x128xi32, #tpu.memory_space<vmem>>) target_semaphore(%arg8 : memref<!tpu.dma_semaphore, #tpu.memory_space<semaphore_mem>>)
    %broadcast_in_dim3A = arith.constant 1.000000e+00 : f32
    %broadcast_in_dim3A_13 = vector.broadcast %broadcast_in_dim3A : f32 to vector<16xf32>
    %swap3A = arith.constant 0 : index
    %swap3A_14 = tpu.vector_load %arg5[%swap3A] {strides = array<i32>} : memref<128xf32, #tpu.memory_space<vmem>>, vector<16xf32>,
    %swap3A_15 = vector.shape_cast %swap3A_14 : vector<16xf32> to vector<16xf32>
    %swap3A_16 = vector.shape_cast %broadcast_in_dim3A_13 : vector<16xf32> to vector<16xf32>
    tpu.vector_store %arg5[%swap3A], %swap3A_16 {strides = array<i32>} : memref<128xf32, #tpu.memory_space<vmem>>, vector<16xf32>,
    %broadcast_in_dim3A_17 = arith.constant 1.000000e+00 : f32
    %broadcast_in_dim3A_18 = vector.broadcast %broadcast_in_dim3A_17 : f32 to vector<16xf32>
    %swap3A_19 = arith.constant 16 : index
    %swap3A_20 = tpu.vector_load %arg5[%swap3A_19] {strides = array<i32>} : memref<128xf32, #tpu.memory_space<vmem>>, vector<16xf32>,
    %swap3A_21 = vector.shape_cast %swap3A_20 : vector<16xf32> to vector<16xf32>
    %swap3A_22 = vector.shape_cast %broadcast_in_dim3A_18 : vector<16xf32> to vector<16xf32>
    tpu.vector_store %arg5[%swap3A_19], %swap3A_22 {strides = array<i32>} : memref<128xf32, #tpu.memory_space<vmem>>, vector<16xf32>,
    %broadcast_in_dim3A_23 = arith.constant 1.000000e+00 : f32
    %broadcast_in_dim3A_24 = vector.broadcast %broadcast_in_dim3A_23 : f32 to vector<16xf32>
    %swap3A_25 = arith.constant 32 : index
    %swap3A_26 = tpu.vector_load %arg5[%swap3A_25] {strides = array<i32>} : memref<128xf32, #tpu.memory_space<vmem>>, vector<16xf32>,
    %swap3A_27 = vector.shape_cast %swap3A_26 : vector<16xf32> to vector<16xf32>
    %swap3A_28 = vector.shape_cast %broadcast_in_dim3A_24 : vector<16xf32> to vector<16xf32>
    tpu.vector_store %arg5[%swap3A_25], %swap3A_28 {strides = array<i32>} : memref<128xf32, #tpu.memory_space<vmem>>, vector<16xf32>,
    %broadcast_in_dim3A_29 = arith.constant 1.000000e+00 : f32
    %broadcast_in_dim3A_30 = vector.broadcast %broadcast_in_dim3A_29 : f32 to vector<16xf32>
    %swap3A_31 = arith.constant 48 : index
    %swap3A_32 = tpu.vector_load %arg5[%swap3A_31] {strides = array<i32>} : memref<128xf32, #tpu.memory_space<vmem>>, vector<16xf32>,
    %swap3A_33 = vector.shape_cast %swap3A_32 : vector<16xf32> to vector<16xf32>
    %swap3A_34 = vector.shape_cast %broadcast_in_dim3A_30 : vector<16xf32> to vector<16xf32>
    tpu.vector_store %arg5[%swap3A_31], %swap3A_34 {strides = array<i32>} : memref<128xf32, #tpu.memory_space<vmem>>, vector<16xf32>,
    %broadcast_in_dim3A_35 = arith.constant 1.000000e+00 : f32
    %broadcast_in_dim3A_36 = vector.broadcast %broadcast_in_dim3A_35 : f32 to vector<16xf32>
    %swap3A_37 = arith.constant 64 : index
    %swap3A_38 = tpu.vector_load %arg5[%swap3A_37] {strides = array<i32>} : memref<128xf32, #tpu.memory_space<vmem>>, vector<16xf32>,
    %swap3A_39 = vector.shape_cast %swap3A_38 : vector<16xf32> to vector<16xf32>
    %swap3A_40 = vector.shape_cast %broadcast_in_dim3A_36 : vector<16xf32> to vector<16xf32>
    tpu.vector_store %arg5[%swap3A_37], %swap3A_40 {strides = array<i32>} : memref<128xf32, #tpu.memory_space<vmem>>, vector<16xf32>,
    %broadcast_in_dim3A_41 = arith.constant 1.000000e+00 : f32
    %broadcast_in_dim3A_42 = vector.broadcast %broadcast_in_dim3A_41 : f32 to vector<16xf32>
    %swap3A_43 = arith.constant 80 : index
    %swap3A_44 = tpu.vector_load %arg5[%swap3A_43] {strides = array<i32>} : memref<128xf32, #tpu.memory_space<vmem>>, vector<16xf32>,
    %swap3A_45 = vector.shape_cast %swap3A_44 : vector<16xf32> to vector<16xf32>
    %swap3A_46 = vector.shape_cast %broadcast_in_dim3A_42 : vector<16xf32> to vector<16xf32>
    tpu.vector_store %arg5[%swap3A_43], %swap3A_46 {strides = array<i32>} : memref<128xf32, #tpu.memory_space<vmem>>, vector<16xf32>,
    %broadcast_in_dim3A_47 = arith.constant 1.000000e+00 : f32
    %broadcast_in_dim3A_48 = vector.broadcast %broadcast_in_dim3A_47 : f32 to vector<16xf32>
    %swap3A_49 = arith.constant 96 : index
    %swap3A_50 = tpu.vector_load %arg5[%swap3A_49] {strides = array<i32>} : memref<128xf32, #tpu.memory_space<vmem>>, vector<16xf32>,
    %swap3A_51 = vector.shape_cast %swap3A_50 : vector<16xf32> to vector<16xf32>
    %swap3A_52 = vector.shape_cast %broadcast_in_dim3A_48 : vector<16xf32> to vector<16xf32>
    tpu.vector_store %arg5[%swap3A_49], %swap3A_52 {strides = array<i32>} : memref<128xf32, #tpu.memory_space<vmem>>, vector<16xf32>,
    %broadcast_in_dim3A_53 = arith.constant 1.000000e+00 : f32
    %broadcast_in_dim3A_54 = vector.broadcast %broadcast_in_dim3A_53 : f32 to vector<16xf32>
    %swap3A_55 = arith.constant 112 : index
    %swap3A_56 = tpu.vector_load %arg5[%swap3A_55] {strides = array<i32>} : memref<128xf32, #tpu.memory_space<vmem>>, vector<16xf32>,
    %swap3A_57 = vector.shape_cast %swap3A_56 : vector<16xf32> to vector<16xf32>
    %swap3A_58 = vector.shape_cast %broadcast_in_dim3A_54 : vector<16xf32> to vector<16xf32>
    tpu.vector_store %arg5[%swap3A_55], %swap3A_58 {strides = array<i32>} : memref<128xf32, #tpu.memory_space<vmem>>, vector<16xf32>,
    %scan3A = arith.constant 0 : i32
    %scan3A_59 = arith.constant 0 : i32
    %scan3A_60 = arith.constant 40 : i32
    %scan3A_61 = arith.addi %scan3A_59, %scan3A_60 : i32
    %scan3A_62 = arith.constant 1 : i32
    scf.for %scan3A_123 = %scan3A_59 to %scan3A_61 step %scan3A_62  : i32 {
      %broadcast_in_dim3A_124 = arith.constant 0.000000e+00 : f32
      %broadcast_in_dim3A_125 = vector.broadcast %broadcast_in_dim3A_124 : f32 to vector<16xf32>
      %mul3A_126 = arith.constant 16 : i32
      %mul3A_127 = arith.muli %scan3A_123, %mul3A_126 : i32
      %swap3A_128 = arith.index_cast %mul3A_127 : i32 to index
      %swap3A_129 = tpu.vector_load %arg6[%swap3A_128] {strides = array<i32>} : memref<640xf32, #tpu.memory_space<vmem>>, vector<16xf32>,
      %swap3A_130 = vector.shape_cast %swap3A_129 : vector<16xf32> to vector<16xf32>
      %swap3A_131 = vector.shape_cast %broadcast_in_dim3A_125 : vector<16xf32> to vector<16xf32>
      tpu.vector_store %arg6[%swap3A_128], %swap3A_131 {strides = array<i32>} : memref<640xf32, #tpu.memory_space<vmem>>, vector<16xf32>,
    }
    %scan3A_63 = arith.constant 40 : i32
    %mul3A = arith.constant 640 : i32
    %mul3A_64 = arith.muli %arg1, %mul3A : i32
    "tpu.region"() ({
      %run_scoped3A = tpu.sem_alloc : memref<!tpu.dma_semaphore, #tpu.memory_space<semaphore_mem>>
      %dma_start3A_123 = tpu.memref_slice %arg7[%mul3A_64] : memref<10240xf32, #tpu.memory_space<vmem_shared>> -> memref<640xf32, #tpu.memory_space<vmem_shared>>
      %dma_start3A_124 = tpu.memref_slice %arg7[%mul3A_64] : memref<10240xf32, #tpu.memory_space<vmem_shared>> -> memref<640xf32, #tpu.memory_space<vmem_shared>>
      tpu.enqueue_dma source(%arg6 : memref<640xf32, #tpu.memory_space<vmem>>) target(%dma_start3A_124 : memref<640xf32, #tpu.memory_space<vmem_shared>>) target_semaphore(%run_scoped3A : memref<!tpu.dma_semaphore, #tpu.memory_space<semaphore_mem>>)
      %dma_wait3A_125 = tpu.memref_slice %arg7[%mul3A_64] : memref<10240xf32, #tpu.memory_space<vmem_shared>> -> memref<640xf32, #tpu.memory_space<vmem_shared>>
      %dma_wait3A_126 = tpu.memref_slice %arg7[%mul3A_64] : memref<10240xf32, #tpu.memory_space<vmem_shared>> -> memref<640xf32, #tpu.memory_space<vmem_shared>>
      tpu.wait_dma2 semaphore(%run_scoped3A : memref<!tpu.dma_semaphore, #tpu.memory_space<semaphore_mem>>) src(%arg6 : memref<640xf32, #tpu.memory_space<vmem>>) dst(%dma_wait3A_126 : memref<640xf32, #tpu.memory_space<vmem_shared>>)
      tpu.yield
    }) : () -> ()
    %dma_wait3A = arith.constant 0 : i32
    %dma_wait3A_65 = arith.constant 0 : i32
    %dma_wait3A_66 = tpu.memref_slice %arg4[%dma_wait3A, %dma_wait3A_65] : memref<80x128xi32, #tpu.memory_space<vmem>> -> memref<40x128xi32, #tpu.memory_space<vmem>>
    %dma_wait3A_67 = arith.constant 0 : i32
    %dma_wait3A_68 = arith.constant 0 : i32
    %dma_wait3A_69 = tpu.memref_slice %arg2[%arg0, %arg1, %dma_wait3A_67, %dma_wait3A_68] : memref<2x16x80x128xi32, #tpu.memory_space<hbm>> -> memref<1x1x40x128xi32, #tpu.memory_space<hbm>>
    %dma_wait3A_70 = tpu.memref_squeeze %dma_wait3A_69 : memref<1x1x40x128xi32, #tpu.memory_space<hbm>> -> memref<40x128xi32, #tpu.memory_space<hbm>>
    %dma_wait3A_71 = arith.constant 0 : i32
    %dma_wait3A_72 = arith.constant 0 : i32
    %dma_wait3A_73 = tpu.memref_slice %arg4[%dma_wait3A_71, %dma_wait3A_72] : memref<80x128xi32, #tpu.memory_space<vmem>> -> memref<40x128xi32, #tpu.memory_space<vmem>>
    %dma_wait3A_74 = arith.constant 0 : i32
    %dma_wait3A_75 = arith.constant 0 : i32
    %dma_wait3A_76 = tpu.memref_slice %arg2[%arg0, %arg1, %dma_wait3A_74, %dma_wait3A_75] : memref<2x16x80x128xi32, #tpu.memory_space<hbm>> -> memref<1x1x40x128xi32, #tpu.memory_space<hbm>>
    %dma_wait3A_77 = tpu.memref_squeeze %dma_wait3A_76 : memref<1x1x40x128xi32, #tpu.memory_space<hbm>> -> memref<40x128xi32, #tpu.memory_space<hbm>>
    tpu.wait_dma2 semaphore(%arg8 : memref<!tpu.dma_semaphore, #tpu.memory_space<semaphore_mem>>) src(%dma_wait3A_77 : memref<40x128xi32, #tpu.memory_space<hbm>>) dst(%dma_wait3A_73 : memref<40x128xi32, #tpu.memory_space<vmem>>)
    %dma_start3A_78 = arith.constant 40 : i32
    %dma_start3A_79 = arith.constant 0 : i32
    %dma_start3A_80 = tpu.memref_slice %arg4[%dma_start3A_78, %dma_start3A_79] : memref<80x128xi32, #tpu.memory_space<vmem>> -> memref<40x128xi32, #tpu.memory_space<vmem>>
    %dma_start3A_81 = arith.constant 40 : i32
    %dma_start3A_82 = arith.constant 0 : i32
    %dma_start3A_83 = tpu.memref_slice %arg2[%arg0, %arg1, %dma_start3A_81, %dma_start3A_82] : memref<2x16x80x128xi32, #tpu.memory_space<hbm>> -> memref<1x1x40x128xi32, #tpu.memory_space<hbm>>
    %dma_start3A_84 = tpu.memref_squeeze %dma_start3A_83 : memref<1x1x40x128xi32, #tpu.memory_space<hbm>> -> memref<40x128xi32, #tpu.memory_space<hbm>>
    %dma_start3A_85 = arith.constant 40 : i32
    %dma_start3A_86 = arith.constant 0 : i32
    %dma_start3A_87 = tpu.memref_slice %arg4[%dma_start3A_85, %dma_start3A_86] : memref<80x128xi32, #tpu.memory_space<vmem>> -> memref<40x128xi32, #tpu.memory_space<vmem>>
    %dma_start3A_88 = arith.constant 40 : i32
    %dma_start3A_89 = arith.constant 0 : i32
    %dma_start3A_90 = tpu.memref_slice %arg2[%arg0, %arg1, %dma_start3A_88, %dma_start3A_89] : memref<2x16x80x128xi32, #tpu.memory_space<hbm>> -> memref<1x1x40x128xi32, #tpu.memory_space<hbm>>
    %dma_start3A_91 = tpu.memref_squeeze %dma_start3A_90 : memref<1x1x40x128xi32, #tpu.memory_space<hbm>> -> memref<40x128xi32, #tpu.memory_space<hbm>>
    tpu.enqueue_dma source(%dma_start3A_91 : memref<40x128xi32, #tpu.memory_space<hbm>>) target(%dma_start3A_87 : memref<40x128xi32, #tpu.memory_space<vmem>>) target_semaphore(%arg8 : memref<!tpu.dma_semaphore, #tpu.memory_space<semaphore_mem>>)
    %barrier3A = arith.constant 0 : index
    tpu.barrier barrier_id(%barrier3A)
    %scan3A_92 = arith.constant 0 : i32
    %scan3A_93 = arith.constant 0 : i32
    %scan3A_94 = arith.constant 5 : i32
    %scan3A_95 = arith.addi %scan3A_93, %scan3A_94 : i32
    %scan3A_96 = arith.constant 1 : i32
    scf.for %scan3A_123 = %scan3A_93 to %scan3A_95 step %scan3A_96  : i32 {
      %mul3A_124 = arith.constant 8 : i32
      %mul3A_125 = arith.muli %scan3A_123, %mul3A_124 : i32
      %add3A = arith.constant 0 : i32
      %add3A_126 = arith.addi %mul3A_125, %add3A : i32
      %dma_start3A_127 = arith.constant 0 : i32
      %dma_start3A_128 = tpu.memref_slice %arg4[%add3A_126, %dma_start3A_127] : memref<80x128xi32, #tpu.memory_space<vmem>> -> memref<1x128xi32, #tpu.memory_space<vmem>>
      %dma_start3A_129 = tpu.memref_squeeze %dma_start3A_128 : memref<1x128xi32, #tpu.memory_space<vmem>> -> memref<128xi32, #tpu.memory_space<vmem>>
      %dma_start3A_130 = arith.constant 0 : i32
      %dma_start3A_131 = tpu.memref_slice %arg7[%dma_start3A_130] : memref<10240xf32, #tpu.memory_space<vmem_shared>> -> memref<10240xf32, #tpu.memory_space<vmem_shared>>
      tpu.enqueue_indirect_dma source(%arg5 : memref<128xf32, #tpu.memory_space<vmem>>) target(%dma_start3A_131 : memref<10240xf32, #tpu.memory_space<vmem_shared>>) offsets(%dma_start3A_129 : memref<128xi32, #tpu.memory_space<vmem>>) semaphore(%arg9 : memref<!tpu.dma_semaphore, #tpu.memory_space<semaphore_mem>>) {add = true}
      %mul3A_132 = arith.constant 8 : i32
      %mul3A_133 = arith.muli %scan3A_123, %mul3A_132 : i32
      %add3A_134 = arith.constant 1 : i32
      %add3A_135 = arith.addi %mul3A_133, %add3A_134 : i32
      %dma_start3A_136 = arith.constant 0 : i32
      %dma_start3A_137 = tpu.memref_slice %arg4[%add3A_135, %dma_start3A_136] : memref<80x128xi32, #tpu.memory_space<vmem>> -> memref<1x128xi32, #tpu.memory_space<vmem>>
      %dma_start3A_138 = tpu.memref_squeeze %dma_start3A_137 : memref<1x128xi32, #tpu.memory_space<vmem>> -> memref<128xi32, #tpu.memory_space<vmem>>
      %dma_start3A_139 = arith.constant 0 : i32
      %dma_start3A_140 = tpu.memref_slice %arg7[%dma_start3A_139] : memref<10240xf32, #tpu.memory_space<vmem_shared>> -> memref<10240xf32, #tpu.memory_space<vmem_shared>>
      tpu.enqueue_indirect_dma source(%arg5 : memref<128xf32, #tpu.memory_space<vmem>>) target(%dma_start3A_140 : memref<10240xf32, #tpu.memory_space<vmem_shared>>) offsets(%dma_start3A_138 : memref<128xi32, #tpu.memory_space<vmem>>) semaphore(%arg9 : memref<!tpu.dma_semaphore, #tpu.memory_space<semaphore_mem>>) {add = true}
      %mul3A_141 = arith.constant 8 : i32
      %mul3A_142 = arith.muli %scan3A_123, %mul3A_141 : i32
      %add3A_143 = arith.constant 2 : i32
      %add3A_144 = arith.addi %mul3A_142, %add3A_143 : i32
      %dma_start3A_145 = arith.constant 0 : i32
      %dma_start3A_146 = tpu.memref_slice %arg4[%add3A_144, %dma_start3A_145] : memref<80x128xi32, #tpu.memory_space<vmem>> -> memref<1x128xi32, #tpu.memory_space<vmem>>
      %dma_start3A_147 = tpu.memref_squeeze %dma_start3A_146 : memref<1x128xi32, #tpu.memory_space<vmem>> -> memref<128xi32, #tpu.memory_space<vmem>>
      %dma_start3A_148 = arith.constant 0 : i32
      %dma_start3A_149 = tpu.memref_slice %arg7[%dma_start3A_148] : memref<10240xf32, #tpu.memory_space<vmem_shared>> -> memref<10240xf32, #tpu.memory_space<vmem_shared>>
      tpu.enqueue_indirect_dma source(%arg5 : memref<128xf32, #tpu.memory_space<vmem>>) target(%dma_start3A_149 : memref<10240xf32, #tpu.memory_space<vmem_shared>>) offsets(%dma_start3A_147 : memref<128xi32, #tpu.memory_space<vmem>>) semaphore(%arg9 : memref<!tpu.dma_semaphore, #tpu.memory_space<semaphore_mem>>) {add = true}
      %mul3A_150 = arith.constant 8 : i32
      %mul3A_151 = arith.muli %scan3A_123, %mul3A_150 : i32
      %add3A_152 = arith.constant 3 : i32
      %add3A_153 = arith.addi %mul3A_151, %add3A_152 : i32
      %dma_start3A_154 = arith.constant 0 : i32
      %dma_start3A_155 = tpu.memref_slice %arg4[%add3A_153, %dma_start3A_154] : memref<80x128xi32, #tpu.memory_space<vmem>> -> memref<1x128xi32, #tpu.memory_space<vmem>>
      %dma_start3A_156 = tpu.memref_squeeze %dma_start3A_155 : memref<1x128xi32, #tpu.memory_space<vmem>> -> memref<128xi32, #tpu.memory_space<vmem>>
      %dma_start3A_157 = arith.constant 0 : i32
      %dma_start3A_158 = tpu.memref_slice %arg7[%dma_start3A_157] : memref<10240xf32, #tpu.memory_space<vmem_shared>> -> memref<10240xf32, #tpu.memory_space<vmem_shared>>
      tpu.enqueue_indirect_dma source(%arg5 : memref<128xf32, #tpu.memory_space<vmem>>) target(%dma_start3A_158 : memref<10240xf32, #tpu.memory_space<vmem_shared>>) offsets(%dma_start3A_156 : memref<128xi32, #tpu.memory_space<vmem>>) semaphore(%arg9 : memref<!tpu.dma_semaphore, #tpu.memory_space<semaphore_mem>>) {add = true}
      %mul3A_159 = arith.constant 8 : i32
      %mul3A_160 = arith.muli %scan3A_123, %mul3A_159 : i32
      %add3A_161 = arith.constant 4 : i32
      %add3A_162 = arith.addi %mul3A_160, %add3A_161 : i32
      %dma_start3A_163 = arith.constant 0 : i32
      %dma_start3A_164 = tpu.memref_slice %arg4[%add3A_162, %dma_start3A_163] : memref<80x128xi32, #tpu.memory_space<vmem>> -> memref<1x128xi32, #tpu.memory_space<vmem>>
      %dma_start3A_165 = tpu.memref_squeeze %dma_start3A_164 : memref<1x128xi32, #tpu.memory_space<vmem>> -> memref<128xi32, #tpu.memory_space<vmem>>
      %dma_start3A_166 = arith.constant 0 : i32
      %dma_start3A_167 = tpu.memref_slice %arg7[%dma_start3A_166] : memref<10240xf32, #tpu.memory_space<vmem_shared>> -> memref<10240xf32, #tpu.memory_space<vmem_shared>>
      tpu.enqueue_indirect_dma source(%arg5 : memref<128xf32, #tpu.memory_space<vmem>>) target(%dma_start3A_167 : memref<10240xf32, #tpu.memory_space<vmem_shared>>) offsets(%dma_start3A_165 : memref<128xi32, #tpu.memory_space<vmem>>) semaphore(%arg9 : memref<!tpu.dma_semaphore, #tpu.memory_space<semaphore_mem>>) {add = true}
      %mul3A_168 = arith.constant 8 : i32
      %mul3A_169 = arith.muli %scan3A_123, %mul3A_168 : i32
      %add3A_170 = arith.constant 5 : i32
      %add3A_171 = arith.addi %mul3A_169, %add3A_170 : i32
      %dma_start3A_172 = arith.constant 0 : i32
      %dma_start3A_173 = tpu.memref_slice %arg4[%add3A_171, %dma_start3A_172] : memref<80x128xi32, #tpu.memory_space<vmem>> -> memref<1x128xi32, #tpu.memory_space<vmem>>
      %dma_start3A_174 = tpu.memref_squeeze %dma_start3A_173 : memref<1x128xi32, #tpu.memory_space<vmem>> -> memref<128xi32, #tpu.memory_space<vmem>>
      %dma_start3A_175 = arith.constant 0 : i32
      %dma_start3A_176 = tpu.memref_slice %arg7[%dma_start3A_175] : memref<10240xf32, #tpu.memory_space<vmem_shared>> -> memref<10240xf32, #tpu.memory_space<vmem_shared>>
      tpu.enqueue_indirect_dma source(%arg5 : memref<128xf32, #tpu.memory_space<vmem>>) target(%dma_start3A_176 : memref<10240xf32, #tpu.memory_space<vmem_shared>>) offsets(%dma_start3A_174 : memref<128xi32, #tpu.memory_space<vmem>>) semaphore(%arg9 : memref<!tpu.dma_semaphore, #tpu.memory_space<semaphore_mem>>) {add = true}
      %mul3A_177 = arith.constant 8 : i32
      %mul3A_178 = arith.muli %scan3A_123, %mul3A_177 : i32
      %add3A_179 = arith.constant 6 : i32
      %add3A_180 = arith.addi %mul3A_178, %add3A_179 : i32
      %dma_start3A_181 = arith.constant 0 : i32
      %dma_start3A_182 = tpu.memref_slice %arg4[%add3A_180, %dma_start3A_181] : memref<80x128xi32, #tpu.memory_space<vmem>> -> memref<1x128xi32, #tpu.memory_space<vmem>>
      %dma_start3A_183 = tpu.memref_squeeze %dma_start3A_182 : memref<1x128xi32, #tpu.memory_space<vmem>> -> memref<128xi32, #tpu.memory_space<vmem>>
      %dma_start3A_184 = arith.constant 0 : i32
      %dma_start3A_185 = tpu.memref_slice %arg7[%dma_start3A_184] : memref<10240xf32, #tpu.memory_space<vmem_shared>> -> memref<10240xf32, #tpu.memory_space<vmem_shared>>
      tpu.enqueue_indirect_dma source(%arg5 : memref<128xf32, #tpu.memory_space<vmem>>) target(%dma_start3A_185 : memref<10240xf32, #tpu.memory_space<vmem_shared>>) offsets(%dma_start3A_183 : memref<128xi32, #tpu.memory_space<vmem>>) semaphore(%arg9 : memref<!tpu.dma_semaphore, #tpu.memory_space<semaphore_mem>>) {add = true}
      %mul3A_186 = arith.constant 8 : i32
      %mul3A_187 = arith.muli %scan3A_123, %mul3A_186 : i32
      %add3A_188 = arith.constant 7 : i32
      %add3A_189 = arith.addi %mul3A_187, %add3A_188 : i32
      %dma_start3A_190 = arith.constant 0 : i32
      %dma_start3A_191 = tpu.memref_slice %arg4[%add3A_189, %dma_start3A_190] : memref<80x128xi32, #tpu.memory_space<vmem>> -> memref<1x128xi32, #tpu.memory_space<vmem>>
      %dma_start3A_192 = tpu.memref_squeeze %dma_start3A_191 : memref<1x128xi32, #tpu.memory_space<vmem>> -> memref<128xi32, #tpu.memory_space<vmem>>
      %dma_start3A_193 = arith.constant 0 : i32
      %dma_start3A_194 = tpu.memref_slice %arg7[%dma_start3A_193] : memref<10240xf32, #tpu.memory_space<vmem_shared>> -> memref<10240xf32, #tpu.memory_space<vmem_shared>>
      tpu.enqueue_indirect_dma source(%arg5 : memref<128xf32, #tpu.memory_space<vmem>>) target(%dma_start3A_194 : memref<10240xf32, #tpu.memory_space<vmem_shared>>) offsets(%dma_start3A_192 : memref<128xi32, #tpu.memory_space<vmem>>) semaphore(%arg9 : memref<!tpu.dma_semaphore, #tpu.memory_space<semaphore_mem>>) {add = true}
      %dma_wait3A_195 = arith.constant 0 : i32
      %dma_wait3A_196 = tpu.memref_slice %arg4[%add3A_126, %dma_wait3A_195] : memref<80x128xi32, #tpu.memory_space<vmem>> -> memref<1x128xi32, #tpu.memory_space<vmem>>
      %dma_wait3A_197 = tpu.memref_squeeze %dma_wait3A_196 : memref<1x128xi32, #tpu.memory_space<vmem>> -> memref<128xi32, #tpu.memory_space<vmem>>
      %dma_wait3A_198 = arith.constant 0 : i32
      %dma_wait3A_199 = tpu.memref_slice %arg7[%dma_wait3A_198] : memref<10240xf32, #tpu.memory_space<vmem_shared>> -> memref<10240xf32, #tpu.memory_space<vmem_shared>>
      tpu.wait_indirect_dma semaphore(%arg9 : memref<!tpu.dma_semaphore, #tpu.memory_space<semaphore_mem>>) src(%arg5 : memref<128xf32, #tpu.memory_space<vmem>>) dst(%dma_wait3A_199 : memref<10240xf32, #tpu.memory_space<vmem_shared>>)
      %dma_wait3A_200 = arith.constant 0 : i32
      %dma_wait3A_201 = tpu.memref_slice %arg4[%add3A_135, %dma_wait3A_200] : memref<80x128xi32, #tpu.memory_space<vmem>> -> memref<1x128xi32, #tpu.memory_space<vmem>>
      %dma_wait3A_202 = tpu.memref_squeeze %dma_wait3A_201 : memref<1x128xi32, #tpu.memory_space<vmem>> -> memref<128xi32, #tpu.memory_space<vmem>>
      %dma_wait3A_203 = arith.constant 0 : i32
      %dma_wait3A_204 = tpu.memref_slice %arg7[%dma_wait3A_203] : memref<10240xf32, #tpu.memory_space<vmem_shared>> -> memref<10240xf32, #tpu.memory_space<vmem_shared>>
      tpu.wait_indirect_dma semaphore(%arg9 : memref<!tpu.dma_semaphore, #tpu.memory_space<semaphore_mem>>) src(%arg5 : memref<128xf32, #tpu.memory_space<vmem>>) dst(%dma_wait3A_204 : memref<10240xf32, #tpu.memory_space<vmem_shared>>)
      %dma_wait3A_205 = arith.constant 0 : i32
      %dma_wait3A_206 = tpu.memref_slice %arg4[%add3A_144, %dma_wait3A_205] : memref<80x128xi32, #tpu.memory_space<vmem>> -> memref<1x128xi32, #tpu.memory_space<vmem>>
      %dma_wait3A_207 = tpu.memref_squeeze %dma_wait3A_206 : memref<1x128xi32, #tpu.memory_space<vmem>> -> memref<128xi32, #tpu.memory_space<vmem>>
      %dma_wait3A_208 = arith.constant 0 : i32
      %dma_wait3A_209 = tpu.memref_slice %arg7[%dma_wait3A_208] : memref<10240xf32, #tpu.memory_space<vmem_shared>> -> memref<10240xf32, #tpu.memory_space<vmem_shared>>
      tpu.wait_indirect_dma semaphore(%arg9 : memref<!tpu.dma_semaphore, #tpu.memory_space<semaphore_mem>>) src(%arg5 : memref<128xf32, #tpu.memory_space<vmem>>) dst(%dma_wait3A_209 : memref<10240xf32, #tpu.memory_space<vmem_shared>>)
      %dma_wait3A_210 = arith.constant 0 : i32
      %dma_wait3A_211 = tpu.memref_slice %arg4[%add3A_153, %dma_wait3A_210] : memref<80x128xi32, #tpu.memory_space<vmem>> -> memref<1x128xi32, #tpu.memory_space<vmem>>
      %dma_wait3A_212 = tpu.memref_squeeze %dma_wait3A_211 : memref<1x128xi32, #tpu.memory_space<vmem>> -> memref<128xi32, #tpu.memory_space<vmem>>
      %dma_wait3A_213 = arith.constant 0 : i32
      %dma_wait3A_214 = tpu.memref_slice %arg7[%dma_wait3A_213] : memref<10240xf32, #tpu.memory_space<vmem_shared>> -> memref<10240xf32, #tpu.memory_space<vmem_shared>>
      tpu.wait_indirect_dma semaphore(%arg9 : memref<!tpu.dma_semaphore, #tpu.memory_space<semaphore_mem>>) src(%arg5 : memref<128xf32, #tpu.memory_space<vmem>>) dst(%dma_wait3A_214 : memref<10240xf32, #tpu.memory_space<vmem_shared>>)
      %dma_wait3A_215 = arith.constant 0 : i32
      %dma_wait3A_216 = tpu.memref_slice %arg4[%add3A_162, %dma_wait3A_215] : memref<80x128xi32, #tpu.memory_space<vmem>> -> memref<1x128xi32, #tpu.memory_space<vmem>>
      %dma_wait3A_217 = tpu.memref_squeeze %dma_wait3A_216 : memref<1x128xi32, #tpu.memory_space<vmem>> -> memref<128xi32, #tpu.memory_space<vmem>>
      %dma_wait3A_218 = arith.constant 0 : i32
      %dma_wait3A_219 = tpu.memref_slice %arg7[%dma_wait3A_218] : memref<10240xf32, #tpu.memory_space<vmem_shared>> -> memref<10240xf32, #tpu.memory_space<vmem_shared>>
      tpu.wait_indirect_dma semaphore(%arg9 : memref<!tpu.dma_semaphore, #tpu.memory_space<semaphore_mem>>) src(%arg5 : memref<128xf32, #tpu.memory_space<vmem>>) dst(%dma_wait3A_219 : memref<10240xf32, #tpu.memory_space<vmem_shared>>)
      %dma_wait3A_220 = arith.constant 0 : i32
      %dma_wait3A_221 = tpu.memref_slice %arg4[%add3A_171, %dma_wait3A_220] : memref<80x128xi32, #tpu.memory_space<vmem>> -> memref<1x128xi32, #tpu.memory_space<vmem>>
      %dma_wait3A_222 = tpu.memref_squeeze %dma_wait3A_221 : memref<1x128xi32, #tpu.memory_space<vmem>> -> memref<128xi32, #tpu.memory_space<vmem>>
      %dma_wait3A_223 = arith.constant 0 : i32
      %dma_wait3A_224 = tpu.memref_slice %arg7[%dma_wait3A_223] : memref<10240xf32, #tpu.memory_space<vmem_shared>> -> memref<10240xf32, #tpu.memory_space<vmem_shared>>
      tpu.wait_indirect_dma semaphore(%arg9 : memref<!tpu.dma_semaphore, #tpu.memory_space<semaphore_mem>>) src(%arg5 : memref<128xf32, #tpu.memory_space<vmem>>) dst(%dma_wait3A_224 : memref<10240xf32, #tpu.memory_space<vmem_shared>>)
      %dma_wait3A_225 = arith.constant 0 : i32
      %dma_wait3A_226 = tpu.memref_slice %arg4[%add3A_180, %dma_wait3A_225] : memref<80x128xi32, #tpu.memory_space<vmem>> -> memref<1x128xi32, #tpu.memory_space<vmem>>
      %dma_wait3A_227 = tpu.memref_squeeze %dma_wait3A_226 : memref<1x128xi32, #tpu.memory_space<vmem>> -> memref<128xi32, #tpu.memory_space<vmem>>
      %dma_wait3A_228 = arith.constant 0 : i32
      %dma_wait3A_229 = tpu.memref_slice %arg7[%dma_wait3A_228] : memref<10240xf32, #tpu.memory_space<vmem_shared>> -> memref<10240xf32, #tpu.memory_space<vmem_shared>>
      tpu.wait_indirect_dma semaphore(%arg9 : memref<!tpu.dma_semaphore, #tpu.memory_space<semaphore_mem>>) src(%arg5 : memref<128xf32, #tpu.memory_space<vmem>>) dst(%dma_wait3A_229 : memref<10240xf32, #tpu.memory_space<vmem_shared>>)
      %dma_wait3A_230 = arith.constant 0 : i32
      %dma_wait3A_231 = tpu.memref_slice %arg4[%add3A_189, %dma_wait3A_230] : memref<80x128xi32, #tpu.memory_space<vmem>> -> memref<1x128xi32, #tpu.memory_space<vmem>>
      %dma_wait3A_232 = tpu.memref_squeeze %dma_wait3A_231 : memref<1x128xi32, #tpu.memory_space<vmem>> -> memref<128xi32, #tpu.memory_space<vmem>>
      %dma_wait3A_233 = arith.constant 0 : i32
      %dma_wait3A_234 = tpu.memref_slice %arg7[%dma_wait3A_233] : memref<10240xf32, #tpu.memory_space<vmem_shared>> -> memref<10240xf32, #tpu.memory_space<vmem_shared>>
      tpu.wait_indirect_dma semaphore(%arg9 : memref<!tpu.dma_semaphore, #tpu.memory_space<semaphore_mem>>) src(%arg5 : memref<128xf32, #tpu.memory_space<vmem>>) dst(%dma_wait3A_234 : memref<10240xf32, #tpu.memory_space<vmem_shared>>)
    }
    %scan3A_97 = arith.constant 5 : i32
    %dma_wait3A_98 = arith.constant 40 : i32
    %dma_wait3A_99 = arith.constant 0 : i32
    %dma_wait3A_100 = tpu.memref_slice %arg4[%dma_wait3A_98, %dma_wait3A_99] : memref<80x128xi32, #tpu.memory_space<vmem>> -> memref<40x128xi32, #tpu.memory_space<vmem>>
    %dma_wait3A_101 = arith.constant 40 : i32
    %dma_wait3A_102 = arith.constant 0 : i32
    %dma_wait3A_103 = tpu.memref_slice %arg2[%arg0, %arg1, %dma_wait3A_101, %dma_wait3A_102] : memref<2x16x80x128xi32, #tpu.memory_space<hbm>> -> memref<1x1x40x128xi32, #tpu.memory_space<hbm>>
    %dma_wait3A_104 = tpu.memref_squeeze %dma_wait3A_103 : memref<1x1x40x128xi32, #tpu.memory_space<hbm>> -> memref<40x128xi32, #tpu.memory_space<hbm>>
    %dma_wait3A_105 = arith.constant 40 : i32
    %dma_wait3A_106 = arith.constant 0 : i32
    %dma_wait3A_107 = tpu.memref_slice %arg4[%dma_wait3A_105, %dma_wait3A_106] : memref<80x128xi32, #tpu.memory_space<vmem>> -> memref<40x128xi32, #tpu.memory_space<vmem>>
    %dma_wait3A_108 = arith.constant 40 : i32
    %dma_wait3A_109 = arith.constant 0 : i32
    %dma_wait3A_110 = tpu.memref_slice %arg2[%arg0, %arg1, %dma_wait3A_108, %dma_wait3A_109] : memref<2x16x80x128xi32, #tpu.memory_space<hbm>> -> memref<1x1x40x128xi32, #tpu.memory_space<hbm>>
    %dma_wait3A_111 = tpu.memref_squeeze %dma_wait3A_110 : memref<1x1x40x128xi32, #tpu.memory_space<hbm>> -> memref<40x128xi32, #tpu.memory_space<hbm>>
    tpu.wait_dma2 semaphore(%arg8 : memref<!tpu.dma_semaphore, #tpu.memory_space<semaphore_mem>>) src(%dma_wait3A_111 : memref<40x128xi32, #tpu.memory_space<hbm>>) dst(%dma_wait3A_107 : memref<40x128xi32, #tpu.memory_space<vmem>>)
    %scan3A_112 = arith.constant 0 : i32
    %scan3A_113 = arith.constant 5 : i32
    %scan3A_114 = arith.constant 5 : i32
    %scan3A_115 = arith.addi %scan3A_113, %scan3A_114 : i32
    %scan3A_116 = arith.constant 1 : i32
    scf.for %scan3A_123 = %scan3A_113 to %scan3A_115 step %scan3A_116  : i32 {
      %mul3A_124 = arith.constant 8 : i32
      %mul3A_125 = arith.muli %scan3A_123, %mul3A_124 : i32
      %add3A = arith.constant 0 : i32
      %add3A_126 = arith.addi %mul3A_125, %add3A : i32
      %dma_start3A_127 = arith.constant 0 : i32
      %dma_start3A_128 = tpu.memref_slice %arg4[%add3A_126, %dma_start3A_127] : memref<80x128xi32, #tpu.memory_space<vmem>> -> memref<1x128xi32, #tpu.memory_space<vmem>>
      %dma_start3A_129 = tpu.memref_squeeze %dma_start3A_128 : memref<1x128xi32, #tpu.memory_space<vmem>> -> memref<128xi32, #tpu.memory_space<vmem>>
      %dma_start3A_130 = arith.constant 0 : i32
      %dma_start3A_131 = tpu.memref_slice %arg7[%dma_start3A_130] : memref<10240xf32, #tpu.memory_space<vmem_shared>> -> memref<10240xf32, #tpu.memory_space<vmem_shared>>
      tpu.enqueue_indirect_dma source(%arg5 : memref<128xf32, #tpu.memory_space<vmem>>) target(%dma_start3A_131 : memref<10240xf32, #tpu.memory_space<vmem_shared>>) offsets(%dma_start3A_129 : memref<128xi32, #tpu.memory_space<vmem>>) semaphore(%arg9 : memref<!tpu.dma_semaphore, #tpu.memory_space<semaphore_mem>>) {add = true}
      %mul3A_132 = arith.constant 8 : i32
      %mul3A_133 = arith.muli %scan3A_123, %mul3A_132 : i32
      %add3A_134 = arith.constant 1 : i32
      %add3A_135 = arith.addi %mul3A_133, %add3A_134 : i32
      %dma_start3A_136 = arith.constant 0 : i32
      %dma_start3A_137 = tpu.memref_slice %arg4[%add3A_135, %dma_start3A_136] : memref<80x128xi32, #tpu.memory_space<vmem>> -> memref<1x128xi32, #tpu.memory_space<vmem>>
      %dma_start3A_138 = tpu.memref_squeeze %dma_start3A_137 : memref<1x128xi32, #tpu.memory_space<vmem>> -> memref<128xi32, #tpu.memory_space<vmem>>
      %dma_start3A_139 = arith.constant 0 : i32
      %dma_start3A_140 = tpu.memref_slice %arg7[%dma_start3A_139] : memref<10240xf32, #tpu.memory_space<vmem_shared>> -> memref<10240xf32, #tpu.memory_space<vmem_shared>>
      tpu.enqueue_indirect_dma source(%arg5 : memref<128xf32, #tpu.memory_space<vmem>>) target(%dma_start3A_140 : memref<10240xf32, #tpu.memory_space<vmem_shared>>) offsets(%dma_start3A_138 : memref<128xi32, #tpu.memory_space<vmem>>) semaphore(%arg9 : memref<!tpu.dma_semaphore, #tpu.memory_space<semaphore_mem>>) {add = true}
      %mul3A_141 = arith.constant 8 : i32
      %mul3A_142 = arith.muli %scan3A_123, %mul3A_141 : i32
      %add3A_143 = arith.constant 2 : i32
      %add3A_144 = arith.addi %mul3A_142, %add3A_143 : i32
      %dma_start3A_145 = arith.constant 0 : i32
      %dma_start3A_146 = tpu.memref_slice %arg4[%add3A_144, %dma_start3A_145] : memref<80x128xi32, #tpu.memory_space<vmem>> -> memref<1x128xi32, #tpu.memory_space<vmem>>
      %dma_start3A_147 = tpu.memref_squeeze %dma_start3A_146 : memref<1x128xi32, #tpu.memory_space<vmem>> -> memref<128xi32, #tpu.memory_space<vmem>>
      %dma_start3A_148 = arith.constant 0 : i32
      %dma_start3A_149 = tpu.memref_slice %arg7[%dma_start3A_148] : memref<10240xf32, #tpu.memory_space<vmem_shared>> -> memref<10240xf32, #tpu.memory_space<vmem_shared>>
      tpu.enqueue_indirect_dma source(%arg5 : memref<128xf32, #tpu.memory_space<vmem>>) target(%dma_start3A_149 : memref<10240xf32, #tpu.memory_space<vmem_shared>>) offsets(%dma_start3A_147 : memref<128xi32, #tpu.memory_space<vmem>>) semaphore(%arg9 : memref<!tpu.dma_semaphore, #tpu.memory_space<semaphore_mem>>) {add = true}
      %mul3A_150 = arith.constant 8 : i32
      %mul3A_151 = arith.muli %scan3A_123, %mul3A_150 : i32
      %add3A_152 = arith.constant 3 : i32
      %add3A_153 = arith.addi %mul3A_151, %add3A_152 : i32
      %dma_start3A_154 = arith.constant 0 : i32
      %dma_start3A_155 = tpu.memref_slice %arg4[%add3A_153, %dma_start3A_154] : memref<80x128xi32, #tpu.memory_space<vmem>> -> memref<1x128xi32, #tpu.memory_space<vmem>>
      %dma_start3A_156 = tpu.memref_squeeze %dma_start3A_155 : memref<1x128xi32, #tpu.memory_space<vmem>> -> memref<128xi32, #tpu.memory_space<vmem>>
      %dma_start3A_157 = arith.constant 0 : i32
      %dma_start3A_158 = tpu.memref_slice %arg7[%dma_start3A_157] : memref<10240xf32, #tpu.memory_space<vmem_shared>> -> memref<10240xf32, #tpu.memory_space<vmem_shared>>
      tpu.enqueue_indirect_dma source(%arg5 : memref<128xf32, #tpu.memory_space<vmem>>) target(%dma_start3A_158 : memref<10240xf32, #tpu.memory_space<vmem_shared>>) offsets(%dma_start3A_156 : memref<128xi32, #tpu.memory_space<vmem>>) semaphore(%arg9 : memref<!tpu.dma_semaphore, #tpu.memory_space<semaphore_mem>>) {add = true}
      %mul3A_159 = arith.constant 8 : i32
      %mul3A_160 = arith.muli %scan3A_123, %mul3A_159 : i32
      %add3A_161 = arith.constant 4 : i32
      %add3A_162 = arith.addi %mul3A_160, %add3A_161 : i32
      %dma_start3A_163 = arith.constant 0 : i32
      %dma_start3A_164 = tpu.memref_slice %arg4[%add3A_162, %dma_start3A_163] : memref<80x128xi32, #tpu.memory_space<vmem>> -> memref<1x128xi32, #tpu.memory_space<vmem>>
      %dma_start3A_165 = tpu.memref_squeeze %dma_start3A_164 : memref<1x128xi32, #tpu.memory_space<vmem>> -> memref<128xi32, #tpu.memory_space<vmem>>
      %dma_start3A_166 = arith.constant 0 : i32
      %dma_start3A_167 = tpu.memref_slice %arg7[%dma_start3A_166] : memref<10240xf32, #tpu.memory_space<vmem_shared>> -> memref<10240xf32, #tpu.memory_space<vmem_shared>>
      tpu.enqueue_indirect_dma source(%arg5 : memref<128xf32, #tpu.memory_space<vmem>>) target(%dma_start3A_167 : memref<10240xf32, #tpu.memory_space<vmem_shared>>) offsets(%dma_start3A_165 : memref<128xi32, #tpu.memory_space<vmem>>) semaphore(%arg9 : memref<!tpu.dma_semaphore, #tpu.memory_space<semaphore_mem>>) {add = true}
      %mul3A_168 = arith.constant 8 : i32
      %mul3A_169 = arith.muli %scan3A_123, %mul3A_168 : i32
      %add3A_170 = arith.constant 5 : i32
      %add3A_171 = arith.addi %mul3A_169, %add3A_170 : i32
      %dma_start3A_172 = arith.constant 0 : i32
      %dma_start3A_173 = tpu.memref_slice %arg4[%add3A_171, %dma_start3A_172] : memref<80x128xi32, #tpu.memory_space<vmem>> -> memref<1x128xi32, #tpu.memory_space<vmem>>
      %dma_start3A_174 = tpu.memref_squeeze %dma_start3A_173 : memref<1x128xi32, #tpu.memory_space<vmem>> -> memref<128xi32, #tpu.memory_space<vmem>>
      %dma_start3A_175 = arith.constant 0 : i32
      %dma_start3A_176 = tpu.memref_slice %arg7[%dma_start3A_175] : memref<10240xf32, #tpu.memory_space<vmem_shared>> -> memref<10240xf32, #tpu.memory_space<vmem_shared>>
      tpu.enqueue_indirect_dma source(%arg5 : memref<128xf32, #tpu.memory_space<vmem>>) target(%dma_start3A_176 : memref<10240xf32, #tpu.memory_space<vmem_shared>>) offsets(%dma_start3A_174 : memref<128xi32, #tpu.memory_space<vmem>>) semaphore(%arg9 : memref<!tpu.dma_semaphore, #tpu.memory_space<semaphore_mem>>) {add = true}
      %mul3A_177 = arith.constant 8 : i32
      %mul3A_178 = arith.muli %scan3A_123, %mul3A_177 : i32
      %add3A_179 = arith.constant 6 : i32
      %add3A_180 = arith.addi %mul3A_178, %add3A_179 : i32
      %dma_start3A_181 = arith.constant 0 : i32
      %dma_start3A_182 = tpu.memref_slice %arg4[%add3A_180, %dma_start3A_181] : memref<80x128xi32, #tpu.memory_space<vmem>> -> memref<1x128xi32, #tpu.memory_space<vmem>>
      %dma_start3A_183 = tpu.memref_squeeze %dma_start3A_182 : memref<1x128xi32, #tpu.memory_space<vmem>> -> memref<128xi32, #tpu.memory_space<vmem>>
      %dma_start3A_184 = arith.constant 0 : i32
      %dma_start3A_185 = tpu.memref_slice %arg7[%dma_start3A_184] : memref<10240xf32, #tpu.memory_space<vmem_shared>> -> memref<10240xf32, #tpu.memory_space<vmem_shared>>
      tpu.enqueue_indirect_dma source(%arg5 : memref<128xf32, #tpu.memory_space<vmem>>) target(%dma_start3A_185 : memref<10240xf32, #tpu.memory_space<vmem_shared>>) offsets(%dma_start3A_183 : memref<128xi32, #tpu.memory_space<vmem>>) semaphore(%arg9 : memref<!tpu.dma_semaphore, #tpu.memory_space<semaphore_mem>>) {add = true}
      %mul3A_186 = arith.constant 8 : i32
      %mul3A_187 = arith.muli %scan3A_123, %mul3A_186 : i32
      %add3A_188 = arith.constant 7 : i32
      %add3A_189 = arith.addi %mul3A_187, %add3A_188 : i32
      %dma_start3A_190 = arith.constant 0 : i32
      %dma_start3A_191 = tpu.memref_slice %arg4[%add3A_189, %dma_start3A_190] : memref<80x128xi32, #tpu.memory_space<vmem>> -> memref<1x128xi32, #tpu.memory_space<vmem>>
      %dma_start3A_192 = tpu.memref_squeeze %dma_start3A_191 : memref<1x128xi32, #tpu.memory_space<vmem>> -> memref<128xi32, #tpu.memory_space<vmem>>
      %dma_start3A_193 = arith.constant 0 : i32
      %dma_start3A_194 = tpu.memref_slice %arg7[%dma_start3A_193] : memref<10240xf32, #tpu.memory_space<vmem_shared>> -> memref<10240xf32, #tpu.memory_space<vmem_shared>>
      tpu.enqueue_indirect_dma source(%arg5 : memref<128xf32, #tpu.memory_space<vmem>>) target(%dma_start3A_194 : memref<10240xf32, #tpu.memory_space<vmem_shared>>) offsets(%dma_start3A_192 : memref<128xi32, #tpu.memory_space<vmem>>) semaphore(%arg9 : memref<!tpu.dma_semaphore, #tpu.memory_space<semaphore_mem>>) {add = true}
      %dma_wait3A_195 = arith.constant 0 : i32
      %dma_wait3A_196 = tpu.memref_slice %arg4[%add3A_126, %dma_wait3A_195] : memref<80x128xi32, #tpu.memory_space<vmem>> -> memref<1x128xi32, #tpu.memory_space<vmem>>
      %dma_wait3A_197 = tpu.memref_squeeze %dma_wait3A_196 : memref<1x128xi32, #tpu.memory_space<vmem>> -> memref<128xi32, #tpu.memory_space<vmem>>
      %dma_wait3A_198 = arith.constant 0 : i32
      %dma_wait3A_199 = tpu.memref_slice %arg7[%dma_wait3A_198] : memref<10240xf32, #tpu.memory_space<vmem_shared>> -> memref<10240xf32, #tpu.memory_space<vmem_shared>>
      tpu.wait_indirect_dma semaphore(%arg9 : memref<!tpu.dma_semaphore, #tpu.memory_space<semaphore_mem>>) src(%arg5 : memref<128xf32, #tpu.memory_space<vmem>>) dst(%dma_wait3A_199 : memref<10240xf32, #tpu.memory_space<vmem_shared>>)
      %dma_wait3A_200 = arith.constant 0 : i32
      %dma_wait3A_201 = tpu.memref_slice %arg4[%add3A_135, %dma_wait3A_200] : memref<80x128xi32, #tpu.memory_space<vmem>> -> memref<1x128xi32, #tpu.memory_space<vmem>>
      %dma_wait3A_202 = tpu.memref_squeeze %dma_wait3A_201 : memref<1x128xi32, #tpu.memory_space<vmem>> -> memref<128xi32, #tpu.memory_space<vmem>>
      %dma_wait3A_203 = arith.constant 0 : i32
      %dma_wait3A_204 = tpu.memref_slice %arg7[%dma_wait3A_203] : memref<10240xf32, #tpu.memory_space<vmem_shared>> -> memref<10240xf32, #tpu.memory_space<vmem_shared>>
      tpu.wait_indirect_dma semaphore(%arg9 : memref<!tpu.dma_semaphore, #tpu.memory_space<semaphore_mem>>) src(%arg5 : memref<128xf32, #tpu.memory_space<vmem>>) dst(%dma_wait3A_204 : memref<10240xf32, #tpu.memory_space<vmem_shared>>)
      %dma_wait3A_205 = arith.constant 0 : i32
      %dma_wait3A_206 = tpu.memref_slice %arg4[%add3A_144, %dma_wait3A_205] : memref<80x128xi32, #tpu.memory_space<vmem>> -> memref<1x128xi32, #tpu.memory_space<vmem>>
      %dma_wait3A_207 = tpu.memref_squeeze %dma_wait3A_206 : memref<1x128xi32, #tpu.memory_space<vmem>> -> memref<128xi32, #tpu.memory_space<vmem>>
      %dma_wait3A_208 = arith.constant 0 : i32
      %dma_wait3A_209 = tpu.memref_slice %arg7[%dma_wait3A_208] : memref<10240xf32, #tpu.memory_space<vmem_shared>> -> memref<10240xf32, #tpu.memory_space<vmem_shared>>
      tpu.wait_indirect_dma semaphore(%arg9 : memref<!tpu.dma_semaphore, #tpu.memory_space<semaphore_mem>>) src(%arg5 : memref<128xf32, #tpu.memory_space<vmem>>) dst(%dma_wait3A_209 : memref<10240xf32, #tpu.memory_space<vmem_shared>>)
      %dma_wait3A_210 = arith.constant 0 : i32
      %dma_wait3A_211 = tpu.memref_slice %arg4[%add3A_153, %dma_wait3A_210] : memref<80x128xi32, #tpu.memory_space<vmem>> -> memref<1x128xi32, #tpu.memory_space<vmem>>
      %dma_wait3A_212 = tpu.memref_squeeze %dma_wait3A_211 : memref<1x128xi32, #tpu.memory_space<vmem>> -> memref<128xi32, #tpu.memory_space<vmem>>
      %dma_wait3A_213 = arith.constant 0 : i32
      %dma_wait3A_214 = tpu.memref_slice %arg7[%dma_wait3A_213] : memref<10240xf32, #tpu.memory_space<vmem_shared>> -> memref<10240xf32, #tpu.memory_space<vmem_shared>>
      tpu.wait_indirect_dma semaphore(%arg9 : memref<!tpu.dma_semaphore, #tpu.memory_space<semaphore_mem>>) src(%arg5 : memref<128xf32, #tpu.memory_space<vmem>>) dst(%dma_wait3A_214 : memref<10240xf32, #tpu.memory_space<vmem_shared>>)
      %dma_wait3A_215 = arith.constant 0 : i32
      %dma_wait3A_216 = tpu.memref_slice %arg4[%add3A_162, %dma_wait3A_215] : memref<80x128xi32, #tpu.memory_space<vmem>> -> memref<1x128xi32, #tpu.memory_space<vmem>>
      %dma_wait3A_217 = tpu.memref_squeeze %dma_wait3A_216 : memref<1x128xi32, #tpu.memory_space<vmem>> -> memref<128xi32, #tpu.memory_space<vmem>>
      %dma_wait3A_218 = arith.constant 0 : i32
      %dma_wait3A_219 = tpu.memref_slice %arg7[%dma_wait3A_218] : memref<10240xf32, #tpu.memory_space<vmem_shared>> -> memref<10240xf32, #tpu.memory_space<vmem_shared>>
      tpu.wait_indirect_dma semaphore(%arg9 : memref<!tpu.dma_semaphore, #tpu.memory_space<semaphore_mem>>) src(%arg5 : memref<128xf32, #tpu.memory_space<vmem>>) dst(%dma_wait3A_219 : memref<10240xf32, #tpu.memory_space<vmem_shared>>)
      %dma_wait3A_220 = arith.constant 0 : i32
      %dma_wait3A_221 = tpu.memref_slice %arg4[%add3A_171, %dma_wait3A_220] : memref<80x128xi32, #tpu.memory_space<vmem>> -> memref<1x128xi32, #tpu.memory_space<vmem>>
      %dma_wait3A_222 = tpu.memref_squeeze %dma_wait3A_221 : memref<1x128xi32, #tpu.memory_space<vmem>> -> memref<128xi32, #tpu.memory_space<vmem>>
      %dma_wait3A_223 = arith.constant 0 : i32
      %dma_wait3A_224 = tpu.memref_slice %arg7[%dma_wait3A_223] : memref<10240xf32, #tpu.memory_space<vmem_shared>> -> memref<10240xf32, #tpu.memory_space<vmem_shared>>
      tpu.wait_indirect_dma semaphore(%arg9 : memref<!tpu.dma_semaphore, #tpu.memory_space<semaphore_mem>>) src(%arg5 : memref<128xf32, #tpu.memory_space<vmem>>) dst(%dma_wait3A_224 : memref<10240xf32, #tpu.memory_space<vmem_shared>>)
      %dma_wait3A_225 = arith.constant 0 : i32
      %dma_wait3A_226 = tpu.memref_slice %arg4[%add3A_180, %dma_wait3A_225] : memref<80x128xi32, #tpu.memory_space<vmem>> -> memref<1x128xi32, #tpu.memory_space<vmem>>
      %dma_wait3A_227 = tpu.memref_squeeze %dma_wait3A_226 : memref<1x128xi32, #tpu.memory_space<vmem>> -> memref<128xi32, #tpu.memory_space<vmem>>
      %dma_wait3A_228 = arith.constant 0 : i32
      %dma_wait3A_229 = tpu.memref_slice %arg7[%dma_wait3A_228] : memref<10240xf32, #tpu.memory_space<vmem_shared>> -> memref<10240xf32, #tpu.memory_space<vmem_shared>>
      tpu.wait_indirect_dma semaphore(%arg9 : memref<!tpu.dma_semaphore, #tpu.memory_space<semaphore_mem>>) src(%arg5 : memref<128xf32, #tpu.memory_space<vmem>>) dst(%dma_wait3A_229 : memref<10240xf32, #tpu.memory_space<vmem_shared>>)
      %dma_wait3A_230 = arith.constant 0 : i32
      %dma_wait3A_231 = tpu.memref_slice %arg4[%add3A_189, %dma_wait3A_230] : memref<80x128xi32, #tpu.memory_space<vmem>> -> memref<1x128xi32, #tpu.memory_space<vmem>>
      %dma_wait3A_232 = tpu.memref_squeeze %dma_wait3A_231 : memref<1x128xi32, #tpu.memory_space<vmem>> -> memref<128xi32, #tpu.memory_space<vmem>>
      %dma_wait3A_233 = arith.constant 0 : i32
      %dma_wait3A_234 = tpu.memref_slice %arg7[%dma_wait3A_233] : memref<10240xf32, #tpu.memory_space<vmem_shared>> -> memref<10240xf32, #tpu.memory_space<vmem_shared>>
      tpu.wait_indirect_dma semaphore(%arg9 : memref<!tpu.dma_semaphore, #tpu.memory_space<semaphore_mem>>) src(%arg5 : memref<128xf32, #tpu.memory_space<vmem>>) dst(%dma_wait3A_234 : memref<10240xf32, #tpu.memory_space<vmem_shared>>)
    }
    %scan3A_117 = arith.constant 5 : i32
    %barrier3A_118 = arith.constant 0 : index
    tpu.barrier barrier_id(%barrier3A_118)
    %mul3A_119 = arith.constant 640 : i32
    %mul3A_120 = arith.muli %arg1, %mul3A_119 : i32
    "tpu.region"() ({
      %run_scoped3A = tpu.sem_alloc : memref<!tpu.dma_semaphore, #tpu.memory_space<semaphore_mem>>
      %dma_start3A_123 = tpu.memref_slice %arg7[%mul3A_120] : memref<10240xf32, #tpu.memory_space<vmem_shared>> -> memref<640xf32, #tpu.memory_space<vmem_shared>>
      %dma_start3A_124 = tpu.memref_slice %arg7[%mul3A_120] : memref<10240xf32, #tpu.memory_space<vmem_shared>> -> memref<640xf32, #tpu.memory_space<vmem_shared>>
      tpu.enqueue_dma source(%dma_start3A_124 : memref<640xf32, #tpu.memory_space<vmem_shared>>) target(%arg6 : memref<640xf32, #tpu.memory_space<vmem>>) target_semaphore(%run_scoped3A : memref<!tpu.dma_semaphore, #tpu.memory_space<semaphore_mem>>)
      %dma_wait3A_125 = tpu.memref_slice %arg7[%mul3A_120] : memref<10240xf32, #tpu.memory_space<vmem_shared>> -> memref<640xf32, #tpu.memory_space<vmem_shared>>
      %dma_wait3A_126 = tpu.memref_slice %arg7[%mul3A_120] : memref<10240xf32, #tpu.memory_space<vmem_shared>> -> memref<640xf32, #tpu.memory_space<vmem_shared>>
      tpu.wait_dma2 semaphore(%run_scoped3A : memref<!tpu.dma_semaphore, #tpu.memory_space<semaphore_mem>>) src(%dma_wait3A_126 : memref<640xf32, #tpu.memory_space<vmem_shared>>) dst(%arg6 : memref<640xf32, #tpu.memory_space<vmem>>)
      tpu.yield
    }) : () -> ()
    %mul3A_121 = arith.constant 640 : i32
    %mul3A_122 = arith.muli %arg1, %mul3A_121 : i32
    "tpu.region"() ({
      %run_scoped3A = tpu.sem_alloc : memref<!tpu.dma_semaphore, #tpu.memory_space<semaphore_mem>>
      %dma_start3A_123 = tpu.memref_slice %arg3[%arg0, %mul3A_122] : memref<2x10240xf32, #tpu.memory_space<hbm>> -> memref<1x640xf32, #tpu.memory_space<hbm>>
      %dma_start3A_124 = tpu.memref_squeeze %dma_start3A_123 : memref<1x640xf32, #tpu.memory_space<hbm>> -> memref<640xf32, #tpu.memory_space<hbm>>
      %dma_start3A_125 = tpu.memref_slice %arg3[%arg0, %mul3A_122] : memref<2x10240xf32, #tpu.memory_space<hbm>> -> memref<1x640xf32, #tpu.memory_space<hbm>>
      %dma_start3A_126 = tpu.memref_squeeze %dma_start3A_125 : memref<1x640xf32, #tpu.memory_space<hbm>> -> memref<640xf32, #tpu.memory_space<hbm>>
      tpu.enqueue_dma source(%arg6 : memref<640xf32, #tpu.memory_space<vmem>>) target(%dma_start3A_126 : memref<640xf32, #tpu.memory_space<hbm>>) target_semaphore(%run_scoped3A : memref<!tpu.dma_semaphore, #tpu.memory_space<semaphore_mem>>)
      %dma_wait3A_127 = tpu.memref_slice %arg3[%arg0, %mul3A_122] : memref<2x10240xf32, #tpu.memory_space<hbm>> -> memref<1x640xf32, #tpu.memory_space<hbm>>
      %dma_wait3A_128 = tpu.memref_squeeze %dma_wait3A_127 : memref<1x640xf32, #tpu.memory_space<hbm>> -> memref<640xf32, #tpu.memory_space<hbm>>
      %dma_wait3A_129 = tpu.memref_slice %arg3[%arg0, %mul3A_122] : memref<2x10240xf32, #tpu.memory_space<hbm>> -> memref<1x640xf32, #tpu.memory_space<hbm>>
      %dma_wait3A_130 = tpu.memref_squeeze %dma_wait3A_129 : memref<1x640xf32, #tpu.memory_space<hbm>> -> memref<640xf32, #tpu.memory_space<hbm>>
      tpu.wait_dma2 semaphore(%run_scoped3A : memref<!tpu.dma_semaphore, #tpu.memory_space<semaphore_mem>>) src(%arg6 : memref<640xf32, #tpu.memory_space<vmem>>) dst(%dma_wait3A_130 : memref<640xf32, #tpu.memory_space<hbm>>)
      tpu.yield
    }) : () -> ()
    return
  }
}

module attributes {stable_mosaic.version = 14 : i64} {
  func.func @body(%arg0: memref<10000x128xf32, #tpu.memory_space<vmem>>, %arg1: memref<10000x1xf32, #tpu.memory_space<vmem>>, %arg2: memref<10000x1xf32, #tpu.memory_space<vmem>>, %arg3: memref<128x128xf32, #tpu.memory_space<vmem>>, %arg4: memref<1x128xf32, #tpu.memory_space<vmem>>, %arg5: memref<128x128xf32, #tpu.memory_space<vmem>>, %arg6: memref<1x128xf32, #tpu.memory_space<vmem>>, %arg7: memref<10000x128xf32, #tpu.memory_space<vmem>>) attributes {dimension_semantics = [], scalar_prefetch = 0 : i64, scratch_operands = 0 : i64, tpu.core_type = #tpu.core_type<tc>} {
    %get3A = arith.constant 0 : index
    %get3A_0 = arith.constant 0 : index
    %get3A_1 = vector.load %arg3[%get3A, %get3A_0] : memref<128x128xf32, #tpu.memory_space<vmem>>, vector<128x128xf32>
    %get3A_2 = arith.constant 0 : index
    %get3A_3 = arith.constant 0 : index
    %get3A_4 = vector.load %arg5[%get3A_2, %get3A_3] : memref<128x128xf32, #tpu.memory_space<vmem>>, vector<128x128xf32>
    %dot_general3A = arith.constant dense<0.000000e+00> : vector<128x128xf32>
    %dot_general3A_5 = tpu.matmul %get3A_1, %get3A_4, %dot_general3A {dimension_numbers = #tpu.dot_dimension_numbers<[1], [0], [0], [1], [0, 0, 1, 1], [], []>, transpose_lhs_hint = false} : vector<128x128xf32>, vector<128x128xf32>, vector<128x128xf32> -> vector<128x128xf32>
    %get3A_6 = arith.constant 0 : index
    %get3A_7 = arith.constant 0 : index
    %get3A_8 = vector.load %arg4[%get3A_6, %get3A_7] : memref<1x128xf32, #tpu.memory_space<vmem>>, vector<1x128xf32>
    %get3A_9 = arith.constant 0 : index
    %get3A_10 = arith.constant 0 : index
    %get3A_11 = vector.load %arg5[%get3A_9, %get3A_10] : memref<128x128xf32, #tpu.memory_space<vmem>>, vector<128x128xf32>
    %dot_general3A_12 = arith.constant dense<0.000000e+00> : vector<1x128xf32>
    %dot_general3A_13 = tpu.matmul %get3A_8, %get3A_11, %dot_general3A_12 {dimension_numbers = #tpu.dot_dimension_numbers<[1], [0], [0], [1], [0, 0, 1, 1], [], []>, transpose_lhs_hint = false} : vector<1x128xf32>, vector<128x128xf32>, vector<1x128xf32> -> vector<1x128xf32>
    %get3A_14 = arith.constant 0 : index
    %get3A_15 = arith.constant 0 : index
    %get3A_16 = vector.load %arg0[%get3A_14, %get3A_15] : memref<10000x128xf32, #tpu.memory_space<vmem>>, vector<10000x128xf32>
    %dot_general3A_17 = arith.constant dense<0.000000e+00> : vector<10000x128xf32>
    %dot_general3A_18 = tpu.matmul %get3A_16, %dot_general3A_5, %dot_general3A_17 {dimension_numbers = #tpu.dot_dimension_numbers<[1], [0], [0], [1], [0, 0, 1, 1], [], []>, transpose_lhs_hint = false} : vector<10000x128xf32>, vector<128x128xf32>, vector<10000x128xf32> -> vector<10000x128xf32>
    %get3A_19 = arith.constant 0 : index
    %get3A_20 = arith.constant 0 : index
    %get3A_21 = vector.load %arg1[%get3A_19, %get3A_20] : memref<10000x1xf32, #tpu.memory_space<vmem>>, vector<10000x1xf32>
    %add3A = arith.constant 1.000000e+00 : f32
    %add3A_22 = vector.broadcast %add3A : f32 to vector<10000x1xf32>
    %add3A_23 = arith.addf %add3A_22, %get3A_21 : vector<10000x1xf32>
    %get3A_24 = arith.constant 0 : index
    %get3A_25 = arith.constant 0 : index
    %get3A_26 = vector.load %arg2[%get3A_24, %get3A_25] : memref<10000x1xf32, #tpu.memory_space<vmem>>, vector<10000x1xf32>
    %add3A_27 = arith.addf %add3A_23, %get3A_26 : vector<10000x1xf32>
    %add3A_28 = vector.broadcast %dot_general3A_13 : vector<1x128xf32> to vector<10000x128xf32>
    %add3A_29 = arith.addf %dot_general3A_18, %add3A_28 : vector<10000x128xf32>
    %mul3A = vector.broadcast %add3A_27 : vector<10000x1xf32> to vector<10000x128xf32>
    %mul3A_30 = arith.mulf %mul3A, %add3A_29 : vector<10000x128xf32>
    %get3A_31 = arith.constant 0 : index
    %get3A_32 = arith.constant 0 : index
    %get3A_33 = vector.load %arg6[%get3A_31, %get3A_32] : memref<1x128xf32, #tpu.memory_space<vmem>>, vector<1x128xf32>
    %add3A_34 = vector.broadcast %get3A_33 : vector<1x128xf32> to vector<10000x128xf32>
    %add3A_35 = arith.addf %mul3A_30, %add3A_34 : vector<10000x128xf32>
    %swap3A = arith.constant 0 : index
    %swap3A_36 = arith.constant 0 : index
    %swap3A_37 = vector.load %arg7[%swap3A, %swap3A_36] : memref<10000x128xf32, #tpu.memory_space<vmem>>, vector<10000x128xf32>
    tpu.vector_store %arg7[%swap3A, %swap3A_36], %add3A_35 {strides = array<i32>} : memref<10000x128xf32, #tpu.memory_space<vmem>>, vector<10000x128xf32>,
    return
  }
}

</mosaic_0001>

<sc_bundles>
// kernel: kernel.4.cloned.1.call-start
scs
__scs_entry_jumppad:
0x0: {  	(pc) =	sbr.rel $0x88, $3  }
0x1: {  	(tag) =	ssettag $0x0;
	lr =	simm.s32 $0x1  }
0x2: {  	[smem:$0x3F9B] =	sst lr;
	_ =	strace $0xD0000000  }
0x3: {  	_ = 	snop  }
0x4: {  	_ = 	snop  }
0x5: {  	_ = 	snop  }
0x6: {  	_ = 	snop  }
0x7: {  	_ = 	snop  }
__scs_overlays_trampoline_lowered:
0x8: {  	[smem:$0x3FAA] =	sst s0  }
0x9: {  	[smem:$0x3FAB] =	sst s1  }
0xa: {  	[smem:$0x3FAC] =	sst s2  }
0xb: {  	[smem:$0x3FAD] =	sst s3  }
0xc: {  	[smem:$0x3FAE] =	sst s4  }
0xd: {  	[smem:$0x3FAF] =	sst s5  }
0xe: {  	[smem:$0x3FB0] =	sst s6  }
0xf: {  	[smem:$0x3FB1] =	sst s7  }
0x10: {  	[smem:$0x3FB2] =	sst s8  }
0x11: {  	[smem:$0x3FB3] =	sst s9;
	s0 =	simm.s32 @!p0 $0x0  }
0x12: {  	s1 =	sld [smem:$0x3F99];
	s0 =	simm.s32 @p0 $0x1  }
0x13: {  	[smem:$0x3FB4] =	sst s0;
	s0 =	simm.s32 @!p1 $0x0  }
0x14: {  	s2 =	sld [smem:$0x3F98];
	s0 =	simm.s32 @p1 $0x1  }
0x15: {  	[smem:$0x3FB5] =	sst s0;
	s0 =	simm.s32 @!p2 $0x0  }
0x16: {  	s3 =	sld [smem:$0x3FDB];
	s0 =	simm.s32 @p2 $0x1  }
0x17: {  	s4 =	simm.s32 $0x1BF5;
	[smem:$0x3FB7] =	sst s0  }
0x18: {  	s0 =	sld [smem:$0x3F9A];
	_ =	swait.ge [sflag:s4], $0x0  }
0x19: {  	s7 =	sld [smem:$0x3F9B]  }
0x1a: {  	s8 =	sadd.s32 $0xFFFFE003, lr  }
0x1b: {  	s9 =	sadd.s32 $0xFFFFFEF7, lr;
	s5 =	simm.s32 $0xFFFFFFFF;
	p2 =	slt.u32 s8, $0xFFFFF086  }
0x1c: {  	p1 =	slt.u32 s9, $0xF7A;
	s5 =	simm.s32 @!p2 $0x0  }
0x1d: {  	s5 =	simm.s32 @p1 $0x1;
	p0 =	seq.s32 s7, s2  }
0x1e: {  	s7 =	smul.u32 @!p0 $0xF7A, s2;
	p2 =	seq.s32 @!p0 s5, $0x0  }
0x1f: {  	s9 =	smul.u32 $0xF7A, s1;
	s8 =	simm.s32 @!p0 $0x1BF5;
	p2 =	por !p2, p0  }
0x20: {  	[sflag:s8] =	ssyncset.s32 @!p0 $0xFFFFF086;
	s6 =	sadd.s32 @!p0 s3, s7;
	s7 =	simm.s32 @!p0 $0x108  }
0x21: {  	s3 =	sadd.s32 s3, s9;
	s6 =	sadd.s32 @!p0 $0x88, s6;
	s7 =	simm.s32 @p2 $0x1082  }
0x22: {  	[simem:s7], [sflag:s8] =	dma.local @!p0 [hbm:s6], $0xF7A  }
0x23: {  	s9 =	sor.u32 $0xD0000000, s2;
	s6 =	simm.s32 $0x108;
	_ =	swait.ge @!p0 [sflag:s8], $0x0  }
0x24: {  	s3 =	sadd.s32 $0x88, s3;
	s6 =	simm.s32 @!p1 $0x1082;
	[sflag:s4] =	ssyncset.s32 $0xFFFFF086  }
0x25: {  	[simem:s6], [sflag:s4] =	dma.local [hbm:s3], $0xF7A  }
0x26: {  	[smem:$0x3F9B] =	sst s1;
	(tag) =	ssettag s2;
	_ =	strace s9  }
0x27: {  	s1 =	sld [smem:$0x3FAB]  }
0x28: {  	s2 =	sld [smem:$0x3FAC]  }
0x29: {  	s4 =	sld [smem:$0x3FAE]  }
0x2a: {  	p0 =	seq.s32 s5, $0x0;
	s5 =	sld [smem:$0x3FAF]  }
0x2b: {  	s6 =	sld [smem:$0x3FB0]  }
0x2c: {  	s7 =	sld [smem:$0x3FB1]  }
0x2d: {  	s3 =	simm.s32 $0x108;
	s8 =	sld [smem:$0x3FB2]  }
0x2e: {  	s3 =	simm.s32 @!p0 $0x1082;
	s9 =	sld [smem:$0x3FB3]  }
0x2f: {  	lr =	sadd.s32 s0, s3;
	s0 =	sld [smem:$0x3FAA]  }
0x30: {  	s3 =	sld [smem:$0x3FAD]  }
0x31: {  	[smem:$0x3FB6] =	sst s10  }
0x32: {  	s10 =	sld [smem:$0x3FB4];
	_ =	sdelay $0x3  }
0x33: {  	p0 =	seq.s32 s10, $0x1;
	s10 =	sld [smem:$0x3FB6];
	_ =	sdelay $0x3  }
0x34: {  	[smem:$0x3FB6] =	sst s10  }
0x35: {  	s10 =	sld [smem:$0x3FB5];
	_ =	sdelay $0x3  }
0x36: {  	p1 =	seq.s32 s10, $0x1;
	s10 =	sld [smem:$0x3FB6];
	_ =	sdelay $0x3  }
0x37: {  	[smem:$0x3FB6] =	sst s10  }
0x38: {  	s10 =	sld [smem:$0x3FB7]  }
0x39: {  	_ = 	snop;
	(pc) =	sbr.ind lr, $3  }
0x3a: {  	_ = 	snop  }
0x3b: {  	_ = 	snop  }
0x3c: {  	p2 =	seq.s32 s10, $0x1;
	s10 =	sld [smem:$0x3FB6]  }
0x3d: {  	_ =	shalt  }
0x3e: {  	_ =	shalt  }
0x3f: {  	_ =	shalt  }
0x40: {  	_ =	shalt  }
0x41: {  	_ =	shalt  }
0x42: {  	_ =	shalt  }
0x43: {  	_ =	shalt  }
0x44: {  	_ =	shalt  }
0x45: {  	_ =	shalt  }
0x46: {  	_ =	shalt  }
0x47: {  	_ =	shalt  }
0x48: {  	_ =	shalt  }
0x49: {  	_ =	shalt  }
0x4a: {  	_ =	shalt  }
0x4b: {  	_ =	shalt  }
0x4c: {  	_ =	shalt  }
0x4d: {  	_ =	shalt  }
0x4e: {  	_ =	shalt  }
0x4f: {  	_ =	shalt  }
0x50: {  	_ =	shalt  }
0x51: {  	_ =	shalt  }
0x52: {  	_ =	shalt  }
0x53: {  	_ =	shalt  }
0x54: {  	_ =	shalt  }
0x55: {  	_ =	shalt  }
0x56: {  	_ =	shalt  }
0x57: {  	_ =	shalt  }
0x58: {  	_ =	shalt  }
0x59: {  	_ =	shalt  }
0x5a: {  	_ =	shalt  }
0x5b: {  	_ =	shalt  }
0x5c: {  	_ =	shalt  }
0x5d: {  	_ =	shalt  }
0x5e: {  	_ =	shalt  }
0x5f: {  	_ =	shalt  }
0x60: {  	_ =	shalt  }
0x61: {  	_ =	shalt  }
0x62: {  	_ =	shalt  }
0x63: {  	_ =	shalt  }
0x64: {  	_ =	shalt  }
0x65: {  	_ =	shalt  }
0x66: {  	_ =	shalt  }
0x67: {  	_ =	shalt  }
0x68: {  	_ =	shalt  }
0x69: {  	_ =	shalt  }
0x6a: {  	_ =	shalt  }
0x6b: {  	_ =	shalt  }
0x6c: {  	_ =	shalt  }
0x6d: {  	_ =	shalt  }
0x6e: {  	_ =	shalt  }
0x6f: {  	_ =	shalt  }
0x70: {  	_ =	shalt  }
0x71: {  	_ =	shalt  }
0x72: {  	_ =	shalt  }
0x73: {  	_ =	shalt  }
0x74: {  	_ =	shalt  }
0x75: {  	_ =	shalt  }
0x76: {  	_ =	shalt  }
0x77: {  	_ =	shalt  }
0x78: {  	_ =	shalt  }
0x79: {  	_ =	shalt  }
0x7a: {  	_ =	shalt  }
0x7b: {  	_ =	shalt  }
0x7c: {  	_ =	shalt  }
0x7d: {  	_ =	shalt  }
0x7e: {  	_ =	shalt  }
0x7f: {  	_ =	shalt  }
0x80: {  	_ =	shalt  }
0x81: {  	_ =	shalt  }
0x82: {  	_ =	shalt  }
0x83: {  	_ =	shalt  }
0x84: {  	_ =	shalt  }
0x85: {  	_ =	shalt  }
0x86: {  	_ =	shalt  }
0x87: {  	_ =	shalt  }
.Lfunc_end0:
.L_simem_size_0:
called_computation_lowered:
.L_overlay_start_0:
0x88: {  	s2 =	sld [smem:$0x3FD9]  }
0x89: {  	s3 =	sld [smem:$0x3FFE];
	_ =	sdelay $0x1  }
0x8a: {  	s1 =	srdreg.scid  }
0x8b: {  	s0 =	sand.u32 $0x1, s1  }
0x8c: {  	s17 =	sshll.u32 s0, $0xA;
	s2 =	sadd.s32 s3, s2  }
0x8d: {  	s2 =	sadd.s32 s2, s17  }
0x8e: {  	[smem:$0x3FC2] =	sst s2  }
0x8f: {  	_ = 	snop  }
0x90: {  	s2 =	sld [smem:$0x3FD0];
	(tm) =	ssettm $0x1  }
0x91: {  	s18 =	sld [smem:$0x3FFB];
	_ =	sdelay $0x3  }
0x92: {  	_ =	strace s18  }
0x93: {  	s3 =	sld [smem:$0x3FFC];
	_ =	sdelay $0x3  }
0x94: {  	_ =	strace s3  }
0x95: {  	s3 =	sld [smem:$0x3FFD];
	_ =	sdelay $0x3  }
0x96: {  	_ =	strace s3  }
0x97: {  	_ =	strace $0x8FFFFFFF  }
0x98: {  	s19 =	sld [smem:$0x3FDB];
	_ =	sdelay $0x1  }
0x99: {  	s4 =	simm.s32 $_scs_section_size  }
0x9a: {  	s5 =	simm.s32 $_size__tile_overlayer_lowered;
	s6 =	simm.s32 $_tile_overlayer_lowered  }
0x9b: {  	s22 =	simm.s32 $0x1BFF;
	s21 =	sshll.u32 s6, $0x1;
	s3 =	sadd.s32 s4, s19  }
0x9c: {  	s7 =	simm.s32 $0x0;
	s20 =	sshll.u32 s5, $0x1;
	s5 =	sadd.s32 s21, s3  }
0x9d: {  	[timem:s7], [sflag:s22] =	dma.local [hbm:s5], s20  }
0x9e: {  	_ =	swait.ge [sflag:s22], s20  }
0x9f: {  	s4 =	ssub.s32 $0x0, s20;
	[sflag:s22] =	ssyncset.done $0x0  }
0xa0: {  	[sflag:s22] =	ssyncadd.s32 s4;
	_ =	sdelay $0x1  }
0xa1: {  	s23 =	simm.s32 $0x1B8B  }
0xa2: {  	_ =	swait.ge [sflag:s23], $0x1  }
0xa3: {  	[sflag:s23] =	ssyncset.done $0x0  }
0xa4: {  	s25 =	simm.s32 $0x1B8E;
	s24 =	sld [smem:$0x3FFE];
	[sflag:s23] =	ssyncadd.s32 $0xFFFFFFFF  }
0xa5: {  	s26 =	simm.s32 $execute0_lowered;
	[smem:$0x3FD2] =	sst s25  }
0xa6: {  	s5 =	sshll.u32 s26, $0x1;
	_ =	strace $0x80000046;
	[dreg:$0x1] =	wrdreg $0xFFFFFFFF  }
0xa7: {  	s28 =	simm.s32 $_size_execute0_lowered;
	s3 =	sadd.s32 s3, s5;
	[dreg:$0x0] =	wrdreg $0x0  }
0xa8: {  	s5 =	sshll.u32 s28, $0x1;
	[dreg:$0x2] =	wrdreg s3  }
0xa9: {  	[dreg:$0x3] =	wrdreg s5  }
0xaa: {  	[dreg:$0x4] =	wrdreg $0xC0  }
0xab: {  	_ =	task [dreg:s7], $0x5FFFF  }
0xac: {  	[dreg:$0x1] =	wrdreg $0xFFFFFFFF  }
0xad: {  	[dreg:$0x0] =	wrdreg $0x60  }
0xae: {  	[dreg:$0x2] =	wrdreg s2  }
0xaf: {  	[dreg:$0x3] =	wrdreg s24  }
0xb0: {  	[dreg:$0x4] =	wrdreg $0x2B000  }
0xb1: {  	[dreg:$0x5] =	wrdreg $0x9  }
0xb2: {  	_ =	task.clear_ibuf [dreg:s7], $0x6FFFF;
	_ =	strace $0x90000046  }
0xb3: {  	s29 =	simm.s32 $0x9;
	_ =	strace $0x80000048  }
0xb4: {  	_ =	swait.ge [sflag:s29], $0x1  }
0xb5: {  	[sflag:s29] =	ssyncadd.s32 $0xFFFFFFFF  }
0xb6: {  	_ =	strace $0x90000048  }
0xb7: {  	_ =	sfence  }
0xb8: {  	s30 =	sld [smem:$0x0];
	_ =	sdelay $0x2  }
0xb9: {  	s31 =	sshll.u32 s1, $0xD;
	s1 =	sshrl.u32 s1, $0x2  }
0xba: {  	s3 =	sand.u32 $0x4000, s31;
	s1 =	sadd.s32 s1, s30  }
0xbb: {  	s0 =	sor.u32 s3, s0;
	s1 =	sshll.u32 s1, $0x11  }
0xbc: {  	s0 =	sor.u32 s1, s0  }
0xbd: {  	s0 =	sadd.s32 $0x8F2B, s0  }
0xbe: {  	[sflag:s0] =	ssyncadd.remote.s32 $0x1  }
0xbf: {  	_ =	sfence.sel $0xFFFF  }
0xc0: {  	[dreg:$0x0] =	wrdreg $0xFFFFFFFF;
	(pc) =	sbr.abs _section_cstart, $3  }
0xc1: {  	[dreg:$0x1] =	wrdreg $0xFFFFFFFF  }
0xc2: {  	_ =	task.clear_ibuf [dreg:s7], $0x2FFFF;
	_ =	strace $0x9FFFFFFF  }
0xc3: {  	(tm) =	ssettm $0x7FFFFFFF  }
tec
execute0_lowered:
.L_overlay_start_1:
0x0: {  	(tag) =	ssettag $0x1  }
0x1: {  	s0 =	srdreg.scid  }
0x2: {  	s4 =	rddreg [dreg:$0x0];
	s1 =	sand.u32 $0x1, s0  }
0x3: {  	s0 =	stileid.u32;
	s3 =	smul.u32 $0x28000, s1  }
0x4: {  	s5 =	rddreg [dreg:$0x1];
	s6 =	smul.u32 $0x2800, s0  }
0x5: {  	s2 =	rddreg [dreg:$0x2];
	s7 =	smul.u32 $0x500, s0  }
0x6: {  	s8 =	sshll.u32 s1, $0x7;
	s6 =	sadd.s32 s6, s3;
	s3 =	simm.s32 $0x0  }
0x7: {  	s7 =	sor.u32 s8, s7;
	s8 =	simm.s32 $0x200;
	[smem:$0x7FF] =	sst s3  }
0x8: {  	s9 =	simm.s32 $0x280;
	_ =	strace $0x80000047;
	[dreg:$0x7] =	wrdreg s8  }
0x9: {  	s10 =	simm.s32 $0x300;
	[dreg:$0x8] =	wrdreg s9  }
0xa: {  	s11 =	simm.s32 $0x380;
	[dreg:$0x9] =	wrdreg s10  }
0xb: {  	s12 =	simm.s32 $0x400;
	[dreg:$0xa] =	wrdreg s11  }
0xc: {  	s13 =	simm.s32 $0x480;
	[dreg:$0xb] =	wrdreg s12  }
0xd: {  	s14 =	simm.s32 $0x500;
	[dreg:$0xc] =	wrdreg s13  }
0xe: {  	s15 =	simm.s32 $0x580;
	[dreg:$0xd] =	wrdreg s14  }
0xf: {  	s16 =	simm.s32 $0x600;
	[dreg:$0xe] =	wrdreg s15  }
0x10: {  	s17 =	simm.s32 $0x680;
	[dreg:$0xf] =	wrdreg s16  }
0x11: {  	s18 =	simm.s32 $0x700;
	[dreg:$0x10] =	wrdreg s17  }
0x12: {  	s19 =	simm.s32 $0x780;
	[dreg:$0x11] =	wrdreg s18  }
0x13: {  	s20 =	simm.s32 $0x800;
	[dreg:$0x12] =	wrdreg s19  }
0x14: {  	s21 =	simm.s32 $0x880;
	[dreg:$0x13] =	wrdreg s20  }
0x15: {  	s22 =	simm.s32 $0x900;
	[dreg:$0x14] =	wrdreg s21  }
0x16: {  	s23 =	simm.s32 $0x980;
	[dreg:$0x15] =	wrdreg s22  }
0x17: {  	s24 =	simm.s32 $0xA00;
	[dreg:$0x16] =	wrdreg s23  }
0x18: {  	s25 =	simm.s32 $0xA80;
	[dreg:$0x17] =	wrdreg s24  }
0x19: {  	s26 =	simm.s32 $0xB00;
	s7 =	sshrl.u32 s7, $0x3;
	[dreg:$0x18] =	wrdreg s25  }
0x1a: {  	s5 =	sadd.s32 s7, s5;
	s7 =	simm.s32 $0x180;
	[dreg:$0x19] =	wrdreg s26  }
0x1b: {  	s8 =	simm.s32 $0xC80;
	[dreg:$0x6] =	wrdreg s7  }
0x1c: {  	s9 =	simm.s32 $0xD00;
	[dreg:$0x1c] =	wrdreg s8  }
0x1d: {  	s10 =	simm.s32 $0xD80;
	[dreg:$0x1d] =	wrdreg s9  }
0x1e: {  	s11 =	simm.s32 $0xE00;
	[dreg:$0x1e] =	wrdreg s10  }
0x1f: {  	s12 =	simm.s32 $0xE80;
	[dreg:$0x1f] =	wrdreg s11  }
0x20: {  	s13 =	simm.s32 $0xF00;
	[smem:$0x7DD] =	sst s12  }
0x21: {  	s14 =	simm.s32 $0xF80;
	[smem:$0x7DE] =	sst s13  }
0x22: {  	s15 =	simm.s32 $0x1000;
	[smem:$0x7DF] =	sst s14  }
0x23: {  	s16 =	simm.s32 $0x1080;
	[smem:$0x7E0] =	sst s15  }
0x24: {  	s17 =	simm.s32 $0x1100;
	[smem:$0x7E1] =	sst s16  }
0x25: {  	s18 =	simm.s32 $0x1180;
	[smem:$0x7E2] =	sst s17  }
0x26: {  	s19 =	simm.s32 $0x1200;
	[smem:$0x7E3] =	sst s18  }
0x27: {  	s20 =	simm.s32 $0x1280;
	[smem:$0x7E4] =	sst s19  }
0x28: {  	s21 =	simm.s32 $0x1300;
	[smem:$0x7E5] =	sst s20  }
0x29: {  	s22 =	simm.s32 $0x1380;
	[smem:$0x7E6] =	sst s21  }
0x2a: {  	s23 =	simm.s32 $0x1480;
	[smem:$0x7E7] =	sst s22  }
0x2b: {  	s24 =	simm.s32 $0x1500;
	[smem:$0x7E8] =	sst s23  }
0x2c: {  	s6 =	sshrl.u32 s6, $0x3;
	s25 =	simm.s32 $0x1580;
	[smem:$0x7E9] =	sst s24  }
0x2d: {  	s4 =	sadd.s32 s4, s6;
	s26 =	simm.s32 $0x1600;
	[smem:$0x7EA] =	sst s25  }
0x2e: {  	s6 =	sadd.s32 $0x280, s4;
	[smem:$0x7EB] =	sst s26  }
0x2f: {  	s5 =	sadd.s32 $0x1200, s5;
	[dreg:$0x4] =	wrdreg s6  }
0x30: {  	s7 =	simm.s32 $0xC00;
	[dreg:$0x5] =	wrdreg s5  }
0x31: {  	s8 =	simm.s32 $0x1780;
	[dreg:$0x1b] =	wrdreg s7  }
0x32: {  	s9 =	simm.s32 $0x1800;
	[smem:$0x7EE] =	sst s8  }
0x33: {  	s28 =	simm.s32 $0x2580;
	s11 =	simm.s32 $0x1880;
	[smem:$0x7EF] =	sst s9  }
0x34: {  	s29 =	simm.s32 $0x2600;
	s13 =	simm.s32 $0x1900;
	[smem:$0x7F0] =	sst s11  }
0x35: {  	s30 =	simm.s32 $0x2680;
	s14 =	simm.s32 $0x1980;
	[smem:$0x7F1] =	sst s13  }
0x36: {  	s31 =	simm.s32 $0x2700;
	s16 =	simm.s32 $0x1A00;
	[smem:$0x7F2] =	sst s14  }
0x37: {  	s1 =	ssub.s32 $0x2, s1;
	s17 =	simm.s32 $0x1A80;
	[smem:$0x7F3] =	sst s16  }
0x38: {  	s10 =	sshrl.u32 s1, $0x1;
	s18 =	simm.s32 $0x1B00;
	[smem:$0x7F4] =	sst s17  }
0x39: {  	s12 =	smul.u32 $0xA00, s0;
	s19 =	simm.s32 $0x1B80;
	[smem:$0x7F5] =	sst s18  }
0x3a: {  	s20 =	simm.s32 $0x1C00;
	s21 =	simm.s32 $0x1C80;
	[smem:$0x7F6] =	sst s19  }
0x3b: {  	s22 =	simm.s32 $0x1D00;
	s23 =	simm.s32 $0x1D80;
	[smem:$0x7F7] =	sst s20  }
0x3c: {  	s24 =	simm.s32 $0x1E00;
	s25 =	simm.s32 $0x1E80;
	[smem:$0x7F8] =	sst s21  }
0x3d: {  	s26 =	simm.s32 $0x1F00;
	s6 =	simm.s32 $0xB80;
	[smem:$0x7F9] =	sst s22  }
0x3e: {  	s7 =	simm.s32 $0x1700;
	s1 =	ssub.s32 s1, s10;
	[smem:$0x7FA] =	sst s23  }
0x3f: {  	s8 =	simm.s32 $0x3;
	s9 =	simm.s32 $0x1;
	[smem:$0x7FB] =	sst s24  }
0x40: {  	s10 =	simm.s32 $0x1400;
	s11 =	simm.s32 $0x80;
	[smem:$0x7FC] =	sst s25  }
0x41: {  	s13 =	simm.s32 $0x100;
	s14 =	simm.s32 $0x2;
	[smem:$0x7FD] =	sst s26  }
0x42: {  	s16 =	simm.s32 $0x2000;
	s17 =	simm.s32 $0x2080;
	s18 =	simm.s32 $0x2100  }
0x43: {  	s19 =	simm.s32 $0x2180;
	s20 =	simm.s32 $0x2200;
	s21 =	simm.s32 $0x2280  }
0x44: {  	s22 =	simm.s32 $0x2300;
	s23 =	simm.s32 $0x2380;
	s24 =	simm.s32 $0x2400  }
0x45: {  	s25 =	simm.s32 $0x2480;
	s26 =	simm.s32 $0x2500;
	[dreg:$0x1a] =	wrdreg s6  }
0x46: {  	s6 =	simm.s32 $0x1680;
	[smem:$0x7ED] =	sst s7;
	s15 =	sshrl.u32 s12, $0x2  }
0x47: {  	s7 =	simm.s32 $0x2880;
	s12 =	simm.s32 $0x2800;
	[smem:$0x7EC] =	sst s6  }
0x48: {  	v0 =	vimm.f32 $1.000000000e+00;
	v1 =	vimm.f32 $0.0e+00;
	s5 =	sadd.s32 s15, s2;
	s6 =	smax.u32 s1, $0x1;
	s1 =	simm.s32 $0x2780  }
.LBB2_1:
0x49: {  	[tilespmem:s3], [sflag:$0x1] =	stream.linear.gather [hbm4b:s4+s3], $0x1400, $0x38;
	[tilespmem:$0x2D80] =	vst v63  }
0x4a: {  	[tilespmem:$0x2800] =	vst v0  }
0x4b: {  	[tilespmem:$0x2810] =	vst v0  }
0x4c: {  	[tilespmem:$0x2820] =	vst v0  }
0x4d: {  	[tilespmem:$0x2830] =	vst v0  }
0x4e: {  	[tilespmem:$0x2840] =	vst v0  }
0x4f: {  	[tilespmem:$0x2850] =	vst v0  }
0x50: {  	[tilespmem:$0x2860] =	vst v0  }
0x51: {  	[tilespmem:$0x2870] =	vst v0  }
0x52: {  	[tilespmem:$0x2880] =	vst v1  }
0x53: {  	[tilespmem:$0x2890] =	vst v1  }
0x54: {  	[tilespmem:$0x28A0] =	vst v1  }
0x55: {  	[tilespmem:$0x28B0] =	vst v1  }
0x56: {  	[tilespmem:$0x28C0] =	vst v1  }
0x57: {  	[tilespmem:$0x28D0] =	vst v1  }
0x58: {  	[tilespmem:$0x28E0] =	vst v1  }
0x59: {  	[tilespmem:$0x28F0] =	vst v1  }
0x5a: {  	[tilespmem:$0x2900] =	vst v1  }
0x5b: {  	[tilespmem:$0x2910] =	vst v1  }
0x5c: {  	[tilespmem:$0x2920] =	vst v1  }
0x5d: {  	[tilespmem:$0x2930] =	vst v1  }
0x5e: {  	[tilespmem:$0x2940] =	vst v1  }
0x5f: {  	[tilespmem:$0x2950] =	vst v1  }
0x60: {  	[tilespmem:$0x2960] =	vst v1  }
0x61: {  	[tilespmem:$0x2970] =	vst v1  }
0x62: {  	[tilespmem:$0x2980] =	vst v1  }
0x63: {  	[tilespmem:$0x2990] =	vst v1  }
0x64: {  	[tilespmem:$0x29A0] =	vst v1  }
0x65: {  	[tilespmem:$0x29B0] =	vst v1  }
0x66: {  	[tilespmem:$0x29C0] =	vst v1  }
0x67: {  	[tilespmem:$0x29D0] =	vst v1  }
0x68: {  	[tilespmem:$0x29E0] =	vst v1  }
0x69: {  	[tilespmem:$0x29F0] =	vst v1  }
0x6a: {  	[tilespmem:$0x2A00] =	vst v1  }
0x6b: {  	[tilespmem:$0x2A10] =	vst v1  }
0x6c: {  	[tilespmem:$0x2A20] =	vst v1  }
0x6d: {  	[tilespmem:$0x2A30] =	vst v1  }
0x6e: {  	[tilespmem:$0x2A40] =	vst v1  }
0x6f: {  	[tilespmem:$0x2A50] =	vst v1  }
0x70: {  	[tilespmem:$0x2A60] =	vst v1  }
0x71: {  	[tilespmem:$0x2A70] =	vst v1  }
0x72: {  	[tilespmem:$0x2A80] =	vst v1  }
0x73: {  	[tilespmem:$0x2A90] =	vst v1  }
0x74: {  	[tilespmem:$0x2AA0] =	vst v1  }
0x75: {  	[tilespmem:$0x2AB0] =	vst v1  }
0x76: {  	[tilespmem:$0x2AC0] =	vst v1  }
0x77: {  	[tilespmem:$0x2AD0] =	vst v1  }
0x78: {  	[tilespmem:$0x2AE0] =	vst v1  }
0x79: {  	[tilespmem:$0x2AF0] =	vst v1  }
0x7a: {  	[spmem:s5] =	stream.linear.scatter [tilespmem:s7], [sflag:$0x3], $0x280, $0x38;
	[tilespmem:$0x2D80] =	vst v63  }
0x7b: {  	_ =	swait.ge [sflag:s8], $0x280  }
0x7c: {  	[sflag:s8] =	ssyncset.done $0x0  }
0x7d: {  	[sflag:s8] =	ssyncadd.s32 $0xFFFFFD80  }
0x7e: {  	_ =	swait.ge [sflag:s9], $0x1400  }
0x7f: {  	[sflag:s9] =	ssyncset.done $0x0  }
0x80: {  	s0 =	rddreg [dreg:$0x4];
	[sflag:s9] =	ssyncadd.s32 $0xFFFFEC00  }
0x81: {  	[tilespmem:s10], [sflag:$0x1] =	stream.linear.gather [hbm4b:s0+s3], $0x1400, $0x38;
	[tilespmem:$0x2D80] =	vst v63  }
0x82: {  	[bflag:$0x0] =	sbarrier.arrive $0xFFFF  }
0x83: {  	[spmem:s2] =	stream.indirect.scatter.add.f32 [tilespmem:s12], [sflag:$0x2], $0x1, s3, s11, $0xb8;
	[tilespmem:$0x2D80] =	vst v63  }
0x84: {  	_ = 	snop  }
0x85: {  	[spmem:s2] =	stream.indirect.scatter.add.f32 [tilespmem:s12], [sflag:$0x2], $0x1, s11, s11, $0xb8;
	[tilespmem:$0x2D80] =	vst v63  }
0x86: {  	_ = 	snop  }
0x87: {  	[spmem:s2] =	stream.indirect.scatter.add.f32 [tilespmem:s12], [sflag:$0x2], $0x1, s13, s11, $0xb8;
	[tilespmem:$0x2D80] =	vst v63  }
0x88: {  	s0 =	rddreg [dreg:$0x6]  }
0x89: {  	[spmem:s2] =	stream.indirect.scatter.add.f32 [tilespmem:s12], [sflag:$0x2], $0x1, s0, s11, $0xb8;
	[tilespmem:$0x2D80] =	vst v63  }
0x8a: {  	s15 =	rddreg [dreg:$0x7]  }
0x8b: {  	[spmem:s2] =	stream.indirect.scatter.add.f32 [tilespmem:s12], [sflag:$0x2], $0x1, s15, s11, $0xb8;
	[tilespmem:$0x2D80] =	vst v63  }
0x8c: {  	s0 =	rddreg [dreg:$0x8]  }
0x8d: {  	[spmem:s2] =	stream.indirect.scatter.add.f32 [tilespmem:s12], [sflag:$0x2], $0x1, s0, s11, $0xb8;
	[tilespmem:$0x2D80] =	vst v63  }
0x8e: {  	s15 =	rddreg [dreg:$0x9]  }
0x8f: {  	[spmem:s2] =	stream.indirect.scatter.add.f32 [tilespmem:s12], [sflag:$0x2], $0x1, s15, s11, $0xb8;
	[tilespmem:$0x2D80] =	vst v63  }
0x90: {  	s0 =	rddreg [dreg:$0xa]  }
0x91: {  	[spmem:s2] =	stream.indirect.scatter.add.f32 [tilespmem:s12], [sflag:$0x2], $0x1, s0, s11, $0xb8;
	[tilespmem:$0x2D80] =	vst v63  }
0x92: {  	_ =	swait.ge [sflag:s14], $0x80  }
0x93: {  	[sflag:s14] =	ssyncset.done $0x0  }
0x94: {  	[sflag:s14] =	ssyncadd.s32 $0xFFFFFF80  }
0x95: {  	_ =	swait.ge [sflag:s14], $0x80  }
0x96: {  	[sflag:s14] =	ssyncset.done $0x0  }
0x97: {  	[sflag:s14] =	ssyncadd.s32 $0xFFFFFF80  }
0x98: {  	_ =	swait.ge [sflag:s14], $0x80  }
0x99: {  	[sflag:s14] =	ssyncset.done $0x0  }
0x9a: {  	[sflag:s14] =	ssyncadd.s32 $0xFFFFFF80  }
0x9b: {  	_ =	swait.ge [sflag:s14], $0x80  }
0x9c: {  	[sflag:s14] =	ssyncset.done $0x0  }
0x9d: {  	[sflag:s14] =	ssyncadd.s32 $0xFFFFFF80  }
0x9e: {  	_ =	swait.ge [sflag:s14], $0x80  }
0x9f: {  	[sflag:s14] =	ssyncset.done $0x0  }
0xa0: {  	[sflag:s14] =	ssyncadd.s32 $0xFFFFFF80  }
0xa1: {  	_ =	swait.ge [sflag:s14], $0x80  }
0xa2: {  	[sflag:s14] =	ssyncset.done $0x0  }
0xa3: {  	[sflag:s14] =	ssyncadd.s32 $0xFFFFFF80  }
0xa4: {  	_ =	swait.ge [sflag:s14], $0x80  }
0xa5: {  	[sflag:s14] =	ssyncset.done $0x0  }
0xa6: {  	[sflag:s14] =	ssyncadd.s32 $0xFFFFFF80  }
0xa7: {  	_ =	swait.ge [sflag:s14], $0x80  }
0xa8: {  	[sflag:s14] =	ssyncset.done $0x0  }
0xa9: {  	s0 =	rddreg [dreg:$0xb];
	[sflag:s14] =	ssyncadd.s32 $0xFFFFFF80  }
0xaa: {  	[spmem:s2] =	stream.indirect.scatter.add.f32 [tilespmem:s12], [sflag:$0x2], $0x1, s0, s11, $0xb8;
	[tilespmem:$0x2D80] =	vst v63  }
0xab: {  	s15 =	rddreg [dreg:$0xc]  }
0xac: {  	[spmem:s2] =	stream.indirect.scatter.add.f32 [tilespmem:s12], [sflag:$0x2], $0x1, s15, s11, $0xb8;
	[tilespmem:$0x2D80] =	vst v63  }
0xad: {  	s0 =	rddreg [dreg:$0xd]  }
0xae: {  	[spmem:s2] =	stream.indirect.scatter.add.f32 [tilespmem:s12], [sflag:$0x2], $0x1, s0, s11, $0xb8;
	[tilespmem:$0x2D80] =	vst v63  }
0xaf: {  	s15 =	rddreg [dreg:$0xe]  }
0xb0: {  	[spmem:s2] =	stream.indirect.scatter.add.f32 [tilespmem:s12], [sflag:$0x2], $0x1, s15, s11, $0xb8;
	[tilespmem:$0x2D80] =	vst v63  }
0xb1: {  	s0 =	rddreg [dreg:$0xf]  }
0xb2: {  	[spmem:s2] =	stream.indirect.scatter.add.f32 [tilespmem:s12], [sflag:$0x2], $0x1, s0, s11, $0xb8;
	[tilespmem:$0x2D80] =	vst v63  }
0xb3: {  	s15 =	rddreg [dreg:$0x10]  }
0xb4: {  	[spmem:s2] =	stream.indirect.scatter.add.f32 [tilespmem:s12], [sflag:$0x2], $0x1, s15, s11, $0xb8;
	[tilespmem:$0x2D80] =	vst v63  }
0xb5: {  	s0 =	rddreg [dreg:$0x11]  }
0xb6: {  	[spmem:s2] =	stream.indirect.scatter.add.f32 [tilespmem:s12], [sflag:$0x2], $0x1, s0, s11, $0xb8;
	[tilespmem:$0x2D80] =	vst v63  }
0xb7: {  	s15 =	rddreg [dreg:$0x12]  }
0xb8: {  	[spmem:s2] =	stream.indirect.scatter.add.f32 [tilespmem:s12], [sflag:$0x2], $0x1, s15, s11, $0xb8;
	[tilespmem:$0x2D80] =	vst v63  }
0xb9: {  	_ =	swait.ge [sflag:s14], $0x80  }
0xba: {  	[sflag:s14] =	ssyncset.done $0x0  }
0xbb: {  	[sflag:s14] =	ssyncadd.s32 $0xFFFFFF80  }
0xbc: {  	_ =	swait.ge [sflag:s14], $0x80  }
0xbd: {  	[sflag:s14] =	ssyncset.done $0x0  }
0xbe: {  	[sflag:s14] =	ssyncadd.s32 $0xFFFFFF80  }
0xbf: {  	_ =	swait.ge [sflag:s14], $0x80  }
0xc0: {  	[sflag:s14] =	ssyncset.done $0x0  }
0xc1: {  	[sflag:s14] =	ssyncadd.s32 $0xFFFFFF80  }
0xc2: {  	_ =	swait.ge [sflag:s14], $0x80  }
0xc3: {  	[sflag:s14] =	ssyncset.done $0x0  }
0xc4: {  	[sflag:s14] =	ssyncadd.s32 $0xFFFFFF80  }
0xc5: {  	_ =	swait.ge [sflag:s14], $0x80  }
0xc6: {  	[sflag:s14] =	ssyncset.done $0x0  }
0xc7: {  	[sflag:s14] =	ssyncadd.s32 $0xFFFFFF80  }
0xc8: {  	_ =	swait.ge [sflag:s14], $0x80  }
0xc9: {  	[sflag:s14] =	ssyncset.done $0x0  }
0xca: {  	[sflag:s14] =	ssyncadd.s32 $0xFFFFFF80  }
0xcb: {  	_ =	swait.ge [sflag:s14], $0x80  }
0xcc: {  	[sflag:s14] =	ssyncset.done $0x0  }
0xcd: {  	[sflag:s14] =	ssyncadd.s32 $0xFFFFFF80  }
0xce: {  	_ =	swait.ge [sflag:s14], $0x80  }
0xcf: {  	[sflag:s14] =	ssyncset.done $0x0  }
0xd0: {  	s0 =	rddreg [dreg:$0x13];
	[sflag:s14] =	ssyncadd.s32 $0xFFFFFF80  }
0xd1: {  	[spmem:s2] =	stream.indirect.scatter.add.f32 [tilespmem:s12], [sflag:$0x2], $0x1, s0, s11, $0xb8;
	[tilespmem:$0x2D80] =	vst v63  }
0xd2: {  	s15 =	rddreg [dreg:$0x14]  }
0xd3: {  	[spmem:s2] =	stream.indirect.scatter.add.f32 [tilespmem:s12], [sflag:$0x2], $0x1, s15, s11, $0xb8;
	[tilespmem:$0x2D80] =	vst v63  }
0xd4: {  	s0 =	rddreg [dreg:$0x15]  }
0xd5: {  	[spmem:s2] =	stream.indirect.scatter.add.f32 [tilespmem:s12], [sflag:$0x2], $0x1, s0, s11, $0xb8;
	[tilespmem:$0x2D80] =	vst v63  }
0xd6: {  	s15 =	rddreg [dreg:$0x16]  }
0xd7: {  	[spmem:s2] =	stream.indirect.scatter.add.f32 [tilespmem:s12], [sflag:$0x2], $0x1, s15, s11, $0xb8;
	[tilespmem:$0x2D80] =	vst v63  }
0xd8: {  	s0 =	rddreg [dreg:$0x17]  }
0xd9: {  	[spmem:s2] =	stream.indirect.scatter.add.f32 [tilespmem:s12], [sflag:$0x2], $0x1, s0, s11, $0xb8;
	[tilespmem:$0x2D80] =	vst v63  }
0xda: {  	s15 =	rddreg [dreg:$0x18]  }
0xdb: {  	[spmem:s2] =	stream.indirect.scatter.add.f32 [tilespmem:s12], [sflag:$0x2], $0x1, s15, s11, $0xb8;
	[tilespmem:$0x2D80] =	vst v63  }
0xdc: {  	s0 =	rddreg [dreg:$0x19]  }
0xdd: {  	[spmem:s2] =	stream.indirect.scatter.add.f32 [tilespmem:s12], [sflag:$0x2], $0x1, s0, s11, $0xb8;
	[tilespmem:$0x2D80] =	vst v63  }
0xde: {  	s15 =	rddreg [dreg:$0x1a]  }
0xdf: {  	[spmem:s2] =	stream.indirect.scatter.add.f32 [tilespmem:s12], [sflag:$0x2], $0x1, s15, s11, $0xb8;
	[tilespmem:$0x2D80] =	vst v63  }
0xe0: {  	_ =	swait.ge [sflag:s14], $0x80  }
0xe1: {  	[sflag:s14] =	ssyncset.done $0x0  }
0xe2: {  	[sflag:s14] =	ssyncadd.s32 $0xFFFFFF80  }
0xe3: {  	_ =	swait.ge [sflag:s14], $0x80  }
0xe4: {  	[sflag:s14] =	ssyncset.done $0x0  }
0xe5: {  	[sflag:s14] =	ssyncadd.s32 $0xFFFFFF80  }
0xe6: {  	_ =	swait.ge [sflag:s14], $0x80  }
0xe7: {  	[sflag:s14] =	ssyncset.done $0x0  }
0xe8: {  	[sflag:s14] =	ssyncadd.s32 $0xFFFFFF80  }
0xe9: {  	_ =	swait.ge [sflag:s14], $0x80  }
0xea: {  	[sflag:s14] =	ssyncset.done $0x0  }
0xeb: {  	[sflag:s14] =	ssyncadd.s32 $0xFFFFFF80  }
0xec: {  	_ =	swait.ge [sflag:s14], $0x80  }
0xed: {  	[sflag:s14] =	ssyncset.done $0x0  }
0xee: {  	[sflag:s14] =	ssyncadd.s32 $0xFFFFFF80  }
0xef: {  	_ =	swait.ge [sflag:s14], $0x80  }
0xf0: {  	[sflag:s14] =	ssyncset.done $0x0  }
0xf1: {  	[sflag:s14] =	ssyncadd.s32 $0xFFFFFF80  }
0xf2: {  	_ =	swait.ge [sflag:s14], $0x80  }
0xf3: {  	[sflag:s14] =	ssyncset.done $0x0  }
0xf4: {  	[sflag:s14] =	ssyncadd.s32 $0xFFFFFF80  }
0xf5: {  	_ =	swait.ge [sflag:s14], $0x80  }
0xf6: {  	s0 =	rddreg [dreg:$0x1b];
	[sflag:s14] =	ssyncset.done $0x0  }
0xf7: {  	s15 =	rddreg [dreg:$0x1c];
	[sflag:s14] =	ssyncadd.s32 $0xFFFFFF80  }
0xf8: {  	[spmem:s2] =	stream.indirect.scatter.add.f32 [tilespmem:s12], [sflag:$0x2], $0x1, s0, s11, $0xb8;
	[tilespmem:$0x2D80] =	vst v63  }
0xf9: {  	s0 =	rddreg [dreg:$0x1d]  }
0xfa: {  	[spmem:s2] =	stream.indirect.scatter.add.f32 [tilespmem:s12], [sflag:$0x2], $0x1, s15, s11, $0xb8;
	[tilespmem:$0x2D80] =	vst v63  }
0xfb: {  	s15 =	rddreg [dreg:$0x1e]  }
0xfc: {  	[spmem:s2] =	stream.indirect.scatter.add.f32 [tilespmem:s12], [sflag:$0x2], $0x1, s0, s11, $0xb8;
	[tilespmem:$0x2D80] =	vst v63  }
0xfd: {  	s0 =	rddreg [dreg:$0x1f]  }
0xfe: {  	[spmem:s2] =	stream.indirect.scatter.add.f32 [tilespmem:s12], [sflag:$0x2], $0x1, s15, s11, $0xb8;
	[tilespmem:$0x2D80] =	vst v63  }
0xff: {  	s15 =	sld [smem:$0x7DD]  }
0x100: {  	[spmem:s2] =	stream.indirect.scatter.add.f32 [tilespmem:s12], [sflag:$0x2], $0x1, s0, s11, $0xb8;
	[tilespmem:$0x2D80] =	vst v63  }
0x101: {  	s0 =	sld [smem:$0x7DE]  }
0x102: {  	[spmem:s2] =	stream.indirect.scatter.add.f32 [tilespmem:s12], [sflag:$0x2], $0x1, s15, s11, $0xb8;
	[tilespmem:$0x2D80] =	vst v63  }
0x103: {  	s15 =	sld [smem:$0x7DF]  }
0x104: {  	[spmem:s2] =	stream.indirect.scatter.add.f32 [tilespmem:s12], [sflag:$0x2], $0x1, s0, s11, $0xb8;
	[tilespmem:$0x2D80] =	vst v63  }
0x105: {  	_ = 	snop  }
0x106: {  	[spmem:s2] =	stream.indirect.scatter.add.f32 [tilespmem:s12], [sflag:$0x2], $0x1, s15, s11, $0xb8;
	[tilespmem:$0x2D80] =	vst v63  }
0x107: {  	_ =	swait.ge [sflag:s14], $0x80  }
0x108: {  	[sflag:s14] =	ssyncset.done $0x0  }
0x109: {  	[sflag:s14] =	ssyncadd.s32 $0xFFFFFF80  }
0x10a: {  	_ =	swait.ge [sflag:s14], $0x80  }
0x10b: {  	[sflag:s14] =	ssyncset.done $0x0  }
0x10c: {  	[sflag:s14] =	ssyncadd.s32 $0xFFFFFF80  }
0x10d: {  	_ =	swait.ge [sflag:s14], $0x80  }
0x10e: {  	[sflag:s14] =	ssyncset.done $0x0  }
0x10f: {  	[sflag:s14] =	ssyncadd.s32 $0xFFFFFF80  }
0x110: {  	_ =	swait.ge [sflag:s14], $0x80  }
0x111: {  	[sflag:s14] =	ssyncset.done $0x0  }
0x112: {  	[sflag:s14] =	ssyncadd.s32 $0xFFFFFF80  }
0x113: {  	_ =	swait.ge [sflag:s14], $0x80  }
0x114: {  	[sflag:s14] =	ssyncset.done $0x0  }
0x115: {  	[sflag:s14] =	ssyncadd.s32 $0xFFFFFF80  }
0x116: {  	_ =	swait.ge [sflag:s14], $0x80  }
0x117: {  	[sflag:s14] =	ssyncset.done $0x0  }
0x118: {  	[sflag:s14] =	ssyncadd.s32 $0xFFFFFF80  }
0x119: {  	_ =	swait.ge [sflag:s14], $0x80  }
0x11a: {  	[sflag:s14] =	ssyncset.done $0x0  }
0x11b: {  	[sflag:s14] =	ssyncadd.s32 $0xFFFFFF80  }
0x11c: {  	_ =	swait.ge [sflag:s14], $0x80  }
0x11d: {  	s0 =	sld [smem:$0x7E0]  }
0x11e: {  	[sflag:s14] =	ssyncset.done $0x0  }
0x11f: {  	s15 =	sld [smem:$0x7E1];
	[sflag:s14] =	ssyncadd.s32 $0xFFFFFF80  }
0x120: {  	[spmem:s2] =	stream.indirect.scatter.add.f32 [tilespmem:s12], [sflag:$0x2], $0x1, s0, s11, $0xb8;
	[tilespmem:$0x2D80] =	vst v63  }
0x121: {  	s0 =	sld [smem:$0x7E2]  }
0x122: {  	[spmem:s2] =	stream.indirect.scatter.add.f32 [tilespmem:s12], [sflag:$0x2], $0x1, s15, s11, $0xb8;
	[tilespmem:$0x2D80] =	vst v63  }
0x123: {  	s15 =	sld [smem:$0x7E3]  }
0x124: {  	[spmem:s2] =	stream.indirect.scatter.add.f32 [tilespmem:s12], [sflag:$0x2], $0x1, s0, s11, $0xb8;
	[tilespmem:$0x2D80] =	vst v63  }
0x125: {  	s0 =	sld [smem:$0x7E4]  }
0x126: {  	[spmem:s2] =	stream.indirect.scatter.add.f32 [tilespmem:s12], [sflag:$0x2], $0x1, s15, s11, $0xb8;
	[tilespmem:$0x2D80] =	vst v63  }
0x127: {  	s15 =	sld [smem:$0x7E5]  }
0x128: {  	[spmem:s2] =	stream.indirect.scatter.add.f32 [tilespmem:s12], [sflag:$0x2], $0x1, s0, s11, $0xb8;
	[tilespmem:$0x2D80] =	vst v63  }
0x129: {  	s0 =	sld [smem:$0x7E6]  }
0x12a: {  	[spmem:s2] =	stream.indirect.scatter.add.f32 [tilespmem:s12], [sflag:$0x2], $0x1, s15, s11, $0xb8;
	[tilespmem:$0x2D80] =	vst v63  }
0x12b: {  	s15 =	sld [smem:$0x7E7]  }
0x12c: {  	[spmem:s2] =	stream.indirect.scatter.add.f32 [tilespmem:s12], [sflag:$0x2], $0x1, s0, s11, $0xb8;
	[tilespmem:$0x2D80] =	vst v63  }
0x12d: {  	_ = 	snop  }
0x12e: {  	[spmem:s2] =	stream.indirect.scatter.add.f32 [tilespmem:s12], [sflag:$0x2], $0x1, s15, s11, $0xb8;
	[tilespmem:$0x2D80] =	vst v63  }
0x12f: {  	_ =	swait.ge [sflag:s14], $0x80  }
0x130: {  	[sflag:s14] =	ssyncset.done $0x0  }
0x131: {  	[sflag:s14] =	ssyncadd.s32 $0xFFFFFF80  }
0x132: {  	_ =	swait.ge [sflag:s14], $0x80  }
0x133: {  	[sflag:s14] =	ssyncset.done $0x0  }
0x134: {  	[sflag:s14] =	ssyncadd.s32 $0xFFFFFF80  }
0x135: {  	_ =	swait.ge [sflag:s14], $0x80  }
0x136: {  	[sflag:s14] =	ssyncset.done $0x0  }
0x137: {  	[sflag:s14] =	ssyncadd.s32 $0xFFFFFF80  }
0x138: {  	_ =	swait.ge [sflag:s14], $0x80  }
0x139: {  	[sflag:s14] =	ssyncset.done $0x0  }
0x13a: {  	[sflag:s14] =	ssyncadd.s32 $0xFFFFFF80  }
0x13b: {  	_ =	swait.ge [sflag:s14], $0x80  }
0x13c: {  	[sflag:s14] =	ssyncset.done $0x0  }
0x13d: {  	[sflag:s14] =	ssyncadd.s32 $0xFFFFFF80  }
0x13e: {  	_ =	swait.ge [sflag:s14], $0x80  }
0x13f: {  	[sflag:s14] =	ssyncset.done $0x0  }
0x140: {  	[sflag:s14] =	ssyncadd.s32 $0xFFFFFF80  }
0x141: {  	_ =	swait.ge [sflag:s14], $0x80  }
0x142: {  	[sflag:s14] =	ssyncset.done $0x0  }
0x143: {  	[sflag:s14] =	ssyncadd.s32 $0xFFFFFF80  }
0x144: {  	_ =	swait.ge [sflag:s14], $0x80  }
0x145: {  	[sflag:s14] =	ssyncset.done $0x0  }
0x146: {  	[sflag:s14] =	ssyncadd.s32 $0xFFFFFF80  }
0x147: {  	_ =	swait.ge [sflag:s9], $0x1400  }
0x148: {  	[sflag:s9] =	ssyncset.done $0x0  }
0x149: {  	s0 =	sld [smem:$0x7E8];
	[sflag:s9] =	ssyncadd.s32 $0xFFFFEC00  }
0x14a: {  	[spmem:s2] =	stream.indirect.scatter.add.f32 [tilespmem:s12], [sflag:$0x2], $0x1, s10, s11, $0xb8;
	[tilespmem:$0x2D80] =	vst v63  }
0x14b: {  	s15 =	sld [smem:$0x7E9]  }
0x14c: {  	[spmem:s2] =	stream.indirect.scatter.add.f32 [tilespmem:s12], [sflag:$0x2], $0x1, s0, s11, $0xb8;
	[tilespmem:$0x2D80] =	vst v63  }
0x14d: {  	s0 =	sld [smem:$0x7EA]  }
0x14e: {  	[spmem:s2] =	stream.indirect.scatter.add.f32 [tilespmem:s12], [sflag:$0x2], $0x1, s15, s11, $0xb8;
	[tilespmem:$0x2D80] =	vst v63  }
0x14f: {  	s15 =	sld [smem:$0x7EB]  }
0x150: {  	[spmem:s2] =	stream.indirect.scatter.add.f32 [tilespmem:s12], [sflag:$0x2], $0x1, s0, s11, $0xb8;
	[tilespmem:$0x2D80] =	vst v63  }
0x151: {  	s0 =	sld [smem:$0x7EC]  }
0x152: {  	[spmem:s2] =	stream.indirect.scatter.add.f32 [tilespmem:s12], [sflag:$0x2], $0x1, s15, s11, $0xb8;
	[tilespmem:$0x2D80] =	vst v63  }
0x153: {  	s15 =	sld [smem:$0x7ED]  }
0x154: {  	[spmem:s2] =	stream.indirect.scatter.add.f32 [tilespmem:s12], [sflag:$0x2], $0x1, s0, s11, $0xb8;
	[tilespmem:$0x2D80] =	vst v63  }
0x155: {  	s0 =	sld [smem:$0x7EE]  }
0x156: {  	[spmem:s2] =	stream.indirect.scatter.add.f32 [tilespmem:s12], [sflag:$0x2], $0x1, s15, s11, $0xb8;
	[tilespmem:$0x2D80] =	vst v63  }
0x157: {  	_ = 	snop  }
0x158: {  	[spmem:s2] =	stream.indirect.scatter.add.f32 [tilespmem:s12], [sflag:$0x2], $0x1, s0, s11, $0xb8;
	[tilespmem:$0x2D80] =	vst v63  }
0x159: {  	_ =	swait.ge [sflag:s14], $0x80  }
0x15a: {  	[sflag:s14] =	ssyncset.done $0x0  }
0x15b: {  	[sflag:s14] =	ssyncadd.s32 $0xFFFFFF80  }
0x15c: {  	_ =	swait.ge [sflag:s14], $0x80  }
0x15d: {  	[sflag:s14] =	ssyncset.done $0x0  }
0x15e: {  	[sflag:s14] =	ssyncadd.s32 $0xFFFFFF80  }
0x15f: {  	_ =	swait.ge [sflag:s14], $0x80  }
0x160: {  	[sflag:s14] =	ssyncset.done $0x0  }
0x161: {  	[sflag:s14] =	ssyncadd.s32 $0xFFFFFF80  }
0x162: {  	_ =	swait.ge [sflag:s14], $0x80  }
0x163: {  	[sflag:s14] =	ssyncset.done $0x0  }
0x164: {  	[sflag:s14] =	ssyncadd.s32 $0xFFFFFF80  }
0x165: {  	_ =	swait.ge [sflag:s14], $0x80  }
0x166: {  	[sflag:s14] =	ssyncset.done $0x0  }
0x167: {  	[sflag:s14] =	ssyncadd.s32 $0xFFFFFF80  }
0x168: {  	_ =	swait.ge [sflag:s14], $0x80  }
0x169: {  	[sflag:s14] =	ssyncset.done $0x0  }
0x16a: {  	[sflag:s14] =	ssyncadd.s32 $0xFFFFFF80  }
0x16b: {  	_ =	swait.ge [sflag:s14], $0x80  }
0x16c: {  	[sflag:s14] =	ssyncset.done $0x0  }
0x16d: {  	[sflag:s14] =	ssyncadd.s32 $0xFFFFFF80  }
0x16e: {  	_ =	swait.ge [sflag:s14], $0x80  }
0x16f: {  	s0 =	sld [smem:$0x7EF]  }
0x170: {  	[sflag:s14] =	ssyncset.done $0x0  }
0x171: {  	s15 =	sld [smem:$0x7F0];
	[sflag:s14] =	ssyncadd.s32 $0xFFFFFF80  }
0x172: {  	[spmem:s2] =	stream.indirect.scatter.add.f32 [tilespmem:s12], [sflag:$0x2], $0x1, s0, s11, $0xb8;
	[tilespmem:$0x2D80] =	vst v63  }
0x173: {  	s0 =	sld [smem:$0x7F1]  }
0x174: {  	[spmem:s2] =	stream.indirect.scatter.add.f32 [tilespmem:s12], [sflag:$0x2], $0x1, s15, s11, $0xb8;
	[tilespmem:$0x2D80] =	vst v63  }
0x175: {  	s15 =	sld [smem:$0x7F2]  }
0x176: {  	[spmem:s2] =	stream.indirect.scatter.add.f32 [tilespmem:s12], [sflag:$0x2], $0x1, s0, s11, $0xb8;
	[tilespmem:$0x2D80] =	vst v63  }
0x177: {  	s0 =	sld [smem:$0x7F3]  }
0x178: {  	[spmem:s2] =	stream.indirect.scatter.add.f32 [tilespmem:s12], [sflag:$0x2], $0x1, s15, s11, $0xb8;
	[tilespmem:$0x2D80] =	vst v63  }
0x179: {  	s15 =	sld [smem:$0x7F4]  }
0x17a: {  	[spmem:s2] =	stream.indirect.scatter.add.f32 [tilespmem:s12], [sflag:$0x2], $0x1, s0, s11, $0xb8;
	[tilespmem:$0x2D80] =	vst v63  }
0x17b: {  	s0 =	sld [smem:$0x7F5]  }
0x17c: {  	[spmem:s2] =	stream.indirect.scatter.add.f32 [tilespmem:s12], [sflag:$0x2], $0x1, s15, s11, $0xb8;
	[tilespmem:$0x2D80] =	vst v63  }
0x17d: {  	s15 =	sld [smem:$0x7F6]  }
0x17e: {  	[spmem:s2] =	stream.indirect.scatter.add.f32 [tilespmem:s12], [sflag:$0x2], $0x1, s0, s11, $0xb8;
	[tilespmem:$0x2D80] =	vst v63  }
0x17f: {  	_ = 	snop  }
0x180: {  	[spmem:s2] =	stream.indirect.scatter.add.f32 [tilespmem:s12], [sflag:$0x2], $0x1, s15, s11, $0xb8;
	[tilespmem:$0x2D80] =	vst v63  }
0x181: {  	_ =	swait.ge [sflag:s14], $0x80  }
0x182: {  	[sflag:s14] =	ssyncset.done $0x0  }
0x183: {  	[sflag:s14] =	ssyncadd.s32 $0xFFFFFF80  }
0x184: {  	_ =	swait.ge [sflag:s14], $0x80  }
0x185: {  	[sflag:s14] =	ssyncset.done $0x0  }
0x186: {  	[sflag:s14] =	ssyncadd.s32 $0xFFFFFF80  }
0x187: {  	_ =	swait.ge [sflag:s14], $0x80  }
0x188: {  	[sflag:s14] =	ssyncset.done $0x0  }
0x189: {  	[sflag:s14] =	ssyncadd.s32 $0xFFFFFF80  }
0x18a: {  	_ =	swait.ge [sflag:s14], $0x80  }
0x18b: {  	[sflag:s14] =	ssyncset.done $0x0  }
0x18c: {  	[sflag:s14] =	ssyncadd.s32 $0xFFFFFF80  }
0x18d: {  	_ =	swait.ge [sflag:s14], $0x80  }
0x18e: {  	[sflag:s14] =	ssyncset.done $0x0  }
0x18f: {  	[sflag:s14] =	ssyncadd.s32 $0xFFFFFF80  }
0x190: {  	_ =	swait.ge [sflag:s14], $0x80  }
0x191: {  	[sflag:s14] =	ssyncset.done $0x0  }
0x192: {  	[sflag:s14] =	ssyncadd.s32 $0xFFFFFF80  }
0x193: {  	_ =	swait.ge [sflag:s14], $0x80  }
0x194: {  	[sflag:s14] =	ssyncset.done $0x0  }
0x195: {  	[sflag:s14] =	ssyncadd.s32 $0xFFFFFF80  }
0x196: {  	_ =	swait.ge [sflag:s14], $0x80  }
0x197: {  	s0 =	sld [smem:$0x7F7]  }
0x198: {  	[sflag:s14] =	ssyncset.done $0x0  }
0x199: {  	s15 =	sld [smem:$0x7F8];
	[sflag:s14] =	ssyncadd.s32 $0xFFFFFF80  }
0x19a: {  	[spmem:s2] =	stream.indirect.scatter.add.f32 [tilespmem:s12], [sflag:$0x2], $0x1, s0, s11, $0xb8;
	[tilespmem:$0x2D80] =	vst v63  }
0x19b: {  	s0 =	sld [smem:$0x7F9]  }
0x19c: {  	[spmem:s2] =	stream.indirect.scatter.add.f32 [tilespmem:s12], [sflag:$0x2], $0x1, s15, s11, $0xb8;
	[tilespmem:$0x2D80] =	vst v63  }
0x19d: {  	s15 =	sld [smem:$0x7FA]  }
0x19e: {  	[spmem:s2] =	stream.indirect.scatter.add.f32 [tilespmem:s12], [sflag:$0x2], $0x1, s0, s11, $0xb8;
	[tilespmem:$0x2D80] =	vst v63  }
0x19f: {  	s0 =	sld [smem:$0x7FB]  }
0x1a0: {  	[spmem:s2] =	stream.indirect.scatter.add.f32 [tilespmem:s12], [sflag:$0x2], $0x1, s15, s11, $0xb8;
	[tilespmem:$0x2D80] =	vst v63  }
0x1a1: {  	s15 =	sld [smem:$0x7FC]  }
0x1a2: {  	[spmem:s2] =	stream.indirect.scatter.add.f32 [tilespmem:s12], [sflag:$0x2], $0x1, s0, s11, $0xb8;
	[tilespmem:$0x2D80] =	vst v63  }
0x1a3: {  	s0 =	sld [smem:$0x7FD]  }
0x1a4: {  	[spmem:s2] =	stream.indirect.scatter.add.f32 [tilespmem:s12], [sflag:$0x2], $0x1, s15, s11, $0xb8;
	[tilespmem:$0x2D80] =	vst v63  }
0x1a5: {  	_ = 	snop  }
0x1a6: {  	[spmem:s2] =	stream.indirect.scatter.add.f32 [tilespmem:s12], [sflag:$0x2], $0x1, s0, s11, $0xb8;
	[tilespmem:$0x2D80] =	vst v63  }
0x1a7: {  	s15 =	simm.s32 $0x1F80  }
0x1a8: {  	[spmem:s2] =	stream.indirect.scatter.add.f32 [tilespmem:s12], [sflag:$0x2], $0x1, s15, s11, $0xb8;
	[tilespmem:$0x2D80] =	vst v63  }
0x1a9: {  	_ =	swait.ge [sflag:s14], $0x80  }
0x1aa: {  	[sflag:s14] =	ssyncset.done $0x0  }
0x1ab: {  	[sflag:s14] =	ssyncadd.s32 $0xFFFFFF80  }
0x1ac: {  	_ =	swait.ge [sflag:s14], $0x80  }
0x1ad: {  	[sflag:s14] =	ssyncset.done $0x0  }
0x1ae: {  	[sflag:s14] =	ssyncadd.s32 $0xFFFFFF80  }
0x1af: {  	_ =	swait.ge [sflag:s14], $0x80  }
0x1b0: {  	[sflag:s14] =	ssyncset.done $0x0  }
0x1b1: {  	[sflag:s14] =	ssyncadd.s32 $0xFFFFFF80  }
0x1b2: {  	_ =	swait.ge [sflag:s14], $0x80  }
0x1b3: {  	[sflag:s14] =	ssyncset.done $0x0  }
0x1b4: {  	[sflag:s14] =	ssyncadd.s32 $0xFFFFFF80  }
0x1b5: {  	_ =	swait.ge [sflag:s14], $0x80  }
0x1b6: {  	[sflag:s14] =	ssyncset.done $0x0  }
0x1b7: {  	[sflag:s14] =	ssyncadd.s32 $0xFFFFFF80  }
0x1b8: {  	_ =	swait.ge [sflag:s14], $0x80  }
0x1b9: {  	[sflag:s14] =	ssyncset.done $0x0  }
0x1ba: {  	[sflag:s14] =	ssyncadd.s32 $0xFFFFFF80  }
0x1bb: {  	_ =	swait.ge [sflag:s14], $0x80  }
0x1bc: {  	[sflag:s14] =	ssyncset.done $0x0  }
0x1bd: {  	[sflag:s14] =	ssyncadd.s32 $0xFFFFFF80  }
0x1be: {  	_ =	swait.ge [sflag:s14], $0x80  }
0x1bf: {  	[sflag:s14] =	ssyncset.done $0x0  }
0x1c0: {  	[sflag:s14] =	ssyncadd.s32 $0xFFFFFF80  }
0x1c1: {  	[spmem:s2] =	stream.indirect.scatter.add.f32 [tilespmem:s12], [sflag:$0x2], $0x1, s16, s11, $0xb8;
	[tilespmem:$0x2D80] =	vst v63  }
0x1c2: {  	_ = 	snop  }
0x1c3: {  	[spmem:s2] =	stream.indirect.scatter.add.f32 [tilespmem:s12], [sflag:$0x2], $0x1, s17, s11, $0xb8;
	[tilespmem:$0x2D80] =	vst v63  }
0x1c4: {  	_ = 	snop  }
0x1c5: {  	[spmem:s2] =	stream.indirect.scatter.add.f32 [tilespmem:s12], [sflag:$0x2], $0x1, s18, s11, $0xb8;
	[tilespmem:$0x2D80] =	vst v63  }
0x1c6: {  	_ = 	snop  }
0x1c7: {  	[spmem:s2] =	stream.indirect.scatter.add.f32 [tilespmem:s12], [sflag:$0x2], $0x1, s19, s11, $0xb8;
	[tilespmem:$0x2D80] =	vst v63  }
0x1c8: {  	_ = 	snop  }
0x1c9: {  	[spmem:s2] =	stream.indirect.scatter.add.f32 [tilespmem:s12], [sflag:$0x2], $0x1, s20, s11, $0xb8;
	[tilespmem:$0x2D80] =	vst v63  }
0x1ca: {  	_ = 	snop  }
0x1cb: {  	[spmem:s2] =	stream.indirect.scatter.add.f32 [tilespmem:s12], [sflag:$0x2], $0x1, s21, s11, $0xb8;
	[tilespmem:$0x2D80] =	vst v63  }
0x1cc: {  	_ = 	snop  }
0x1cd: {  	[spmem:s2] =	stream.indirect.scatter.add.f32 [tilespmem:s12], [sflag:$0x2], $0x1, s22, s11, $0xb8;
	[tilespmem:$0x2D80] =	vst v63  }
0x1ce: {  	_ = 	snop  }
0x1cf: {  	[spmem:s2] =	stream.indirect.scatter.add.f32 [tilespmem:s12], [sflag:$0x2], $0x1, s23, s11, $0xb8;
	[tilespmem:$0x2D80] =	vst v63  }
0x1d0: {  	_ =	swait.ge [sflag:s14], $0x80  }
0x1d1: {  	[sflag:s14] =	ssyncset.done $0x0  }
0x1d2: {  	[sflag:s14] =	ssyncadd.s32 $0xFFFFFF80  }
0x1d3: {  	_ =	swait.ge [sflag:s14], $0x80  }
0x1d4: {  	[sflag:s14] =	ssyncset.done $0x0  }
0x1d5: {  	[sflag:s14] =	ssyncadd.s32 $0xFFFFFF80  }
0x1d6: {  	_ =	swait.ge [sflag:s14], $0x80  }
0x1d7: {  	[sflag:s14] =	ssyncset.done $0x0  }
0x1d8: {  	[sflag:s14] =	ssyncadd.s32 $0xFFFFFF80  }
0x1d9: {  	_ =	swait.ge [sflag:s14], $0x80  }
0x1da: {  	[sflag:s14] =	ssyncset.done $0x0  }
0x1db: {  	[sflag:s14] =	ssyncadd.s32 $0xFFFFFF80  }
0x1dc: {  	_ =	swait.ge [sflag:s14], $0x80  }
0x1dd: {  	[sflag:s14] =	ssyncset.done $0x0  }
0x1de: {  	[sflag:s14] =	ssyncadd.s32 $0xFFFFFF80  }
0x1df: {  	_ =	swait.ge [sflag:s14], $0x80  }
0x1e0: {  	[sflag:s14] =	ssyncset.done $0x0  }
0x1e1: {  	[sflag:s14] =	ssyncadd.s32 $0xFFFFFF80  }
0x1e2: {  	_ =	swait.ge [sflag:s14], $0x80  }
0x1e3: {  	[sflag:s14] =	ssyncset.done $0x0  }
0x1e4: {  	[sflag:s14] =	ssyncadd.s32 $0xFFFFFF80  }
0x1e5: {  	_ =	swait.ge [sflag:s14], $0x80  }
0x1e6: {  	[sflag:s14] =	ssyncset.done $0x0  }
0x1e7: {  	[sflag:s14] =	ssyncadd.s32 $0xFFFFFF80  }
0x1e8: {  	[spmem:s2] =	stream.indirect.scatter.add.f32 [tilespmem:s12], [sflag:$0x2], $0x1, s24, s11, $0xb8;
	[tilespmem:$0x2D80] =	vst v63  }
0x1e9: {  	_ = 	snop  }
0x1ea: {  	[spmem:s2] =	stream.indirect.scatter.add.f32 [tilespmem:s12], [sflag:$0x2], $0x1, s25, s11, $0xb8;
	[tilespmem:$0x2D80] =	vst v63  }
0x1eb: {  	_ = 	snop  }
0x1ec: {  	[spmem:s2] =	stream.indirect.scatter.add.f32 [tilespmem:s12], [sflag:$0x2], $0x1, s26, s11, $0xb8;
	[tilespmem:$0x2D80] =	vst v63  }
0x1ed: {  	_ = 	snop  }
0x1ee: {  	[spmem:s2] =	stream.indirect.scatter.add.f32 [tilespmem:s12], [sflag:$0x2], $0x1, s28, s11, $0xb8;
	[tilespmem:$0x2D80] =	vst v63  }
0x1ef: {  	_ = 	snop  }
0x1f0: {  	[spmem:s2] =	stream.indirect.scatter.add.f32 [tilespmem:s12], [sflag:$0x2], $0x1, s29, s11, $0xb8;
	[tilespmem:$0x2D80] =	vst v63  }
0x1f1: {  	_ = 	snop  }
0x1f2: {  	[spmem:s2] =	stream.indirect.scatter.add.f32 [tilespmem:s12], [sflag:$0x2], $0x1, s30, s11, $0xb8;
	[tilespmem:$0x2D80] =	vst v63  }
0x1f3: {  	_ = 	snop  }
0x1f4: {  	[spmem:s2] =	stream.indirect.scatter.add.f32 [tilespmem:s12], [sflag:$0x2], $0x1, s31, s11, $0xb8;
	[tilespmem:$0x2D80] =	vst v63  }
0x1f5: {  	_ = 	snop  }
0x1f6: {  	[spmem:s2] =	stream.indirect.scatter.add.f32 [tilespmem:s12], [sflag:$0x2], $0x1, s1, s11, $0xb8;
	[tilespmem:$0x2D80] =	vst v63  }
0x1f7: {  	_ =	swait.ge [sflag:s14], $0x80  }
0x1f8: {  	[sflag:s14] =	ssyncset.done $0x0  }
0x1f9: {  	[sflag:s14] =	ssyncadd.s32 $0xFFFFFF80  }
0x1fa: {  	_ =	swait.ge [sflag:s14], $0x80  }
0x1fb: {  	[sflag:s14] =	ssyncset.done $0x0  }
0x1fc: {  	[sflag:s14] =	ssyncadd.s32 $0xFFFFFF80  }
0x1fd: {  	_ =	swait.ge [sflag:s14], $0x80  }
0x1fe: {  	[sflag:s14] =	ssyncset.done $0x0  }
0x1ff: {  	[sflag:s14] =	ssyncadd.s32 $0xFFFFFF80  }
0x200: {  	_ =	swait.ge [sflag:s14], $0x80  }
0x201: {  	[sflag:s14] =	ssyncset.done $0x0  }
0x202: {  	[sflag:s14] =	ssyncadd.s32 $0xFFFFFF80  }
0x203: {  	_ =	swait.ge [sflag:s14], $0x80  }
0x204: {  	[sflag:s14] =	ssyncset.done $0x0  }
0x205: {  	[sflag:s14] =	ssyncadd.s32 $0xFFFFFF80  }
0x206: {  	_ =	swait.ge [sflag:s14], $0x80  }
0x207: {  	[sflag:s14] =	ssyncset.done $0x0  }
0x208: {  	[sflag:s14] =	ssyncadd.s32 $0xFFFFFF80  }
0x209: {  	_ =	swait.ge [sflag:s14], $0x80  }
0x20a: {  	[sflag:s14] =	ssyncset.done $0x0  }
0x20b: {  	[sflag:s14] =	ssyncadd.s32 $0xFFFFFF80  }
0x20c: {  	_ =	swait.ge [sflag:s14], $0x80  }
0x20d: {  	[sflag:s14] =	ssyncset.done $0x0  }
0x20e: {  	[sflag:s14] =	ssyncadd.s32 $0xFFFFFF80  }
0x20f: {  	[bflag:$0x0] =	sbarrier.arrive $0xFFFF  }
0x210: {  	[tilespmem:s7], [sflag:$0x3] =	stream.linear.gather [spmem:s5], $0x280, $0x38;
	[tilespmem:$0x2D80] =	vst v63  }
0x211: {  	_ =	swait.ge [sflag:s8], $0x280  }
0x212: {  	p0 =	sne.s32 s6, $0x1;
	[sflag:s8] =	ssyncset.done $0x0  }
.Ltmp0:
0x213: {  	s15 =	rddreg [dreg:$0x5];
	[sflag:s8] =	ssyncadd.s32 $0xFFFFFD80;
	(pc) =	sbr.rel @p0 .LBB2_1-.Ltmp0, $4  }
0x214: {  	[hbm4b:s15+s11] =	stream.strided.scatter [tilespmem:s7], [sflag:$0x3], $0x280, s13, s11, $0x38;
	[tilespmem:$0x2D80] =	vst v63  }
0x215: {  	_ =	swait.ge [sflag:s8], $0x280  }
0x216: {  	[sflag:s8] =	ssyncset.done $0x0  }
0x217: {  	s6 =	sadd.s32 $0xFFFFFFFF, s6;
	[sflag:s8] =	ssyncadd.s32 $0xFFFFFD80  }
0x218: {  	_ =	sfence.sel $0x180000  }
0x219: {  	[bflag:$0x0] =	sbarrier.arrive $0xFFFF  }
0x21a: {  	_ =	strace $0x90000047  }
0x21b: {  	s0 =	stileid.u32;
	[bflag:$0x2] =	sbarrier.arrive $0xFFFF  }
0x21c: {  	p0 =	sne.s32 s0, $0x0;
	s0 =	rddreg [dreg:$0x3]  }
0x21d: {  	s0 =	sadd.s32 @!p0 $0x100000, s0  }
0x21e: {  	[sflag:s0] =	ssyncadd.tile.s32 @!p0 $0x1;
	_ =	shalt  }
.Lfunc_end2:
_tile_overlayer_lowered:
.L_overlay_start_2:
0x21f: {  	(tag) =	ssettag $0x2  }
0x220: {  	s0 =	rddreg [dreg:$0x0];
	s2 =	stileid.u32  }
0x221: {  	s1 =	rddreg [dreg:$0x1];
	p0 =	sne.s32 s2, $0x0  }
0x222: {  	s3 =	rddreg [dreg:$0x2];
	[bflag:$0x3] =	sbarrier.arrive $0xFFFF;
	s2 =	simm.s32 @!p0 $0x1C03  }
0x223: {  	[timem:s3], [sflag:s2] =	dma.local @!p0 [hbm:s0], s1  }
0x224: {  	s0 =	simm.s32 @!p0 $0x3  }
0x225: {  	_ =	swait.ge @!p0 [sflag:s0], s1  }
0x226: {  	s1 =	ssub.s32 @!p0 $0x0, s1;
	[sflag:s0] =	ssyncset.done @!p0 $0x0  }
0x227: {  	[sflag:s0] =	ssyncadd.s32 @!p0 s1  }
0x228: {  	[bflag:$0x3] =	sbarrier.arrive $0xFFFF  }
0x229: {  	_ =	shalt  }

</sc_bundles>
